<compile_context>
chip_gen: v7x
topology: tpu7x:2x2x1
jax: 0.10.2.dev20260603
libtpu: 0.0.44.dev20260713+nightly
codegen_flags: <defaults>
</compile_context>

<pallas_src>
import functools

import jax
import jax.numpy as jnp
from jax import lax
from jax.experimental import pallas as pl
from jax.experimental.pallas import tpu as pltpu
from jax.experimental.pallas import tpu_sc as plsc

_NC = 2
_NS = 16
_NW = _NC * _NS
_LANES = 16
_RCHUNK = 64
_NBUF = 3


def _prob_body(tab_ref, w_ref, b_ref, out_ref):
    t = tab_ref[...]
    w = w_ref[...]
    logits = jnp.sum(t * w, axis=1, keepdims=True) + b_ref[...]
    out_ref[...] = jax.nn.sigmoid(logits)


def _compute_prob_table(emb_table, W, b):
    rows = emb_table.shape[0]
    return pl.pallas_call(
        _prob_body,
        out_shape=jax.ShapeDtypeStruct((rows, 1), jnp.float32),
    )(emb_table, W, b.reshape(1, 1))


@functools.lru_cache(maxsize=None)
def _make_sc_gather(batch, seqlen, table_rows):
    assert batch % (_NW * _RCHUNK) == 0
    rows_per_w = batch // _NW
    nchunk = rows_per_w // _RCHUNK
    starts = list(range(0, (seqlen // _LANES) * _LANES, _LANES))
    if seqlen % _LANES:
        starts.append(seqlen - _LANES)
    mesh = plsc.VectorSubcoreMesh(core_axis_name="c", subcore_axis_name="s")

    @functools.partial(
        pl.kernel,
        out_type=jax.ShapeDtypeStruct((batch, seqlen), jnp.float32),
        mesh=mesh,
        scratch_types=(
            [pltpu.VMEM((table_rows,), jnp.float32)]
            + [pltpu.VMEM((_RCHUNK, seqlen), jnp.int32) for _ in range(_NBUF)]
            + [pltpu.VMEM((_RCHUNK, seqlen), jnp.float32) for _ in range(_NBUF)]
            + [pltpu.SemaphoreType.DMA for _ in range(2 * _NBUF)]
        ),
        compiler_params=pltpu.CompilerParams(
            needs_layout_passes=False, use_tc_tiling_on_sc=True),
    )
    def gather_kernel(ptab_hbm, idx_hbm, out_hbm, ptab_v, *scratch):
        idx_bufs = scratch[:_NBUF]
        out_bufs = scratch[_NBUF:2 * _NBUF]
        sem_in = scratch[2 * _NBUF:3 * _NBUF]
        sem_out = scratch[3 * _NBUF:4 * _NBUF]
        wid = lax.axis_index("s") * _NC + lax.axis_index("c")
        base = wid * rows_per_w
        pltpu.sync_copy(ptab_hbm, ptab_v)

        def in_copy(g):
            return pltpu.async_copy(
                idx_hbm.at[pl.ds(base + g * _RCHUNK, _RCHUNK)],
                idx_bufs[g % _NBUF], sem_in[g % _NBUF])

        in_handles = [in_copy(g) for g in range(min(_NBUF, nchunk))]
        out_handles = [None] * nchunk
        for g in range(nchunk):
            cur = g % _NBUF
            in_handles[g].wait()
            if g >= _NBUF:
                out_handles[g - _NBUF].wait()
            idx_v, out_v = idx_bufs[cur], out_bufs[cur]

            def inner(r, c, idx_v=idx_v, out_v=out_v):
                ivs = [idx_v[r, pl.ds(s, _LANES)] for s in starts]
                gs = [plsc.load_gather(ptab_v, [iv]) for iv in ivs]
                for s, g_ in zip(starts, gs):
                    out_v[r, pl.ds(s, _LANES)] = g_
                return c

            lax.fori_loop(0, _RCHUNK, inner, 0)
            out_handles[g] = pltpu.async_copy(
                out_v, out_hbm.at[pl.ds(base + g * _RCHUNK, _RCHUNK)],
                sem_out[cur])
            if g + _NBUF < nchunk:
                in_handles.append(in_copy(g + _NBUF))
        for g in range(max(0, nchunk - _NBUF), nchunk):
            out_handles[g].wait()

    return gather_kernel


def kernel(pos_indices, emb_table, W, b):
    batch, seqlen = pos_indices.shape
    idx = pos_indices.astype(jnp.int32)
    ptab = _compute_prob_table(emb_table, W, b).reshape(-1)
    out = _make_sc_gather(batch, seqlen, emb_table.shape[0])(ptab, idx)
    return out[..., None]

# --- scband reference (transcript-rebuilt; emitter-appended) ---
"""Pipeline reference for scband-position-model-44796508897504 (READ-ONLY COPY).

The authoritative reference and input builder live on the scoring server;
editing this copy changes nothing except your own understanding.
"""

import jax, jax.numpy as jnp
import numpy as np


def setup_inputs(seed: int = 0) -> dict:
    key = jax.random.key(seed)
    k_idx, k_emb, k_w, k_b = jax.random.split(key, 4)
    max_num_position = 1000
    input_size = 64
    pos_indices = jax.random.randint(k_idx, (16384, 200), 0, max_num_position, dtype=jnp.int64 if jax.config.jax_enable_x64 else jnp.int32)
    # nn.Embedding default init: N(0,1)
    emb_table = jax.random.normal(k_emb, (max_num_position, input_size), dtype=jnp.float32)
    # nn.Linear default init: U(-1/sqrt(fan_in), 1/sqrt(fan_in))
    bound = 1.0 / np.sqrt(input_size)
    W = jax.random.uniform(k_w, (1, input_size), dtype=jnp.float32, minval=-bound, maxval=bound)
    b = jax.random.uniform(k_b, (1,), dtype=jnp.float32, minval=-bound, maxval=bound)
    return {"pos_indices": pos_indices, "emb_table": emb_table, "W": W, "b": b}


def reference(pos_indices, emb_table, W, b):
    # pos_emb = self.position_embedding(pos_indices)
    pos_emb = jnp.take(emb_table, pos_indices, axis=0)  # [B, L, D]
    # prob_seen = Sigmoid(Linear(pos_emb))
    logits = jnp.einsum('bld,od->blo', pos_emb, W) + b  # [B, L, 1]
    prob_seen = jax.nn.sigmoid(logits)
    return prob_seen

if __name__ == "__main__":
    import jax
    _d = setup_inputs()
    print(jax.jit(kernel)(*tuple(_d.values())))

</pallas_src>

<mosaic_0001>
#map = affine_map<(d0, d1) -> (0)>
#map1 = affine_map<(d0, d1) -> (0, 0)>
module attributes {stable_mosaic.version = 14 : i64} {
  func.func @gather_kernel(%arg0: i32, %arg1: i32, %arg2: memref<1000xf32, #tpu.memory_space<hbm>>, %arg3: memref<16384x200xi32, #tpu.memory_space<hbm>>, %arg4: memref<16384x200xf32, #tpu.memory_space<hbm>>, %arg5: memref<1000xf32, #tpu.memory_space<vmem>>, %arg6: memref<64x200xi32, #tpu.memory_space<vmem>>, %arg7: memref<64x200xi32, #tpu.memory_space<vmem>>, %arg8: memref<64x200xi32, #tpu.memory_space<vmem>>, %arg9: memref<64x200xf32, #tpu.memory_space<vmem>>, %arg10: memref<64x200xf32, #tpu.memory_space<vmem>>, %arg11: memref<64x200xf32, #tpu.memory_space<vmem>>, %arg12: memref<!tpu.dma_semaphore, #tpu.memory_space<semaphore_mem>>, %arg13: memref<!tpu.dma_semaphore, #tpu.memory_space<semaphore_mem>>, %arg14: memref<!tpu.dma_semaphore, #tpu.memory_space<semaphore_mem>>, %arg15: memref<!tpu.dma_semaphore, #tpu.memory_space<semaphore_mem>>, %arg16: memref<!tpu.dma_semaphore, #tpu.memory_space<semaphore_mem>>, %arg17: memref<!tpu.dma_semaphore, #tpu.memory_space<semaphore_mem>>) attributes {dimension_semantics = [#tpu.dimension_semantics<core_parallel>, #tpu.dimension_semantics<subcore_parallel>], iteration_bounds = array<i64: 2, 16>, scalar_prefetch = 0 : i64, scratch_operands = 13 : i64, tpu.core_type = #tpu.core_type<sc_vector_subcore>, window_params = [{transform_indices = #map}, {transform_indices = #map1}, {transform_indices = #map1}]} {
    %mul3A = arith.constant 2 : i32
    %mul3A_0 = arith.muli %arg1, %mul3A : i32
    %add3A = arith.addi %mul3A_0, %arg0 : i32
    %mul3A_1 = arith.constant 512 : i32
    %mul3A_2 = arith.muli %add3A, %mul3A_1 : i32
    "tpu.region"() ({
      %run_scoped3A = tpu.sem_alloc : memref<!tpu.dma_semaphore, #tpu.memory_space<semaphore_mem>>
      tpu.enqueue_dma source(%arg2 : memref<1000xf32, #tpu.memory_space<hbm>>) target(%arg5 : memref<1000xf32, #tpu.memory_space<vmem>>) target_semaphore(%run_scoped3A : memref<!tpu.dma_semaphore, #tpu.memory_space<semaphore_mem>>)
      tpu.wait_dma2 semaphore(%run_scoped3A : memref<!tpu.dma_semaphore, #tpu.memory_space<semaphore_mem>>) src(%arg2 : memref<1000xf32, #tpu.memory_space<hbm>>) dst(%arg5 : memref<1000xf32, #tpu.memory_space<vmem>>)
      tpu.yield
    }) : () -> ()
    %add3A_3 = arith.constant 0 : i32
    %add3A_4 = arith.addi %mul3A_2, %add3A_3 : i32
    %dma_start3A = arith.constant 0 : i32
    %dma_start3A_5 = tpu.memref_slice %arg3[%add3A_4, %dma_start3A] : memref<16384x200xi32, #tpu.memory_space<hbm>> -> memref<64x200xi32, #tpu.memory_space<hbm>>
    %dma_start3A_6 = arith.constant 0 : i32
    %dma_start3A_7 = tpu.memref_slice %arg3[%add3A_4, %dma_start3A_6] : memref<16384x200xi32, #tpu.memory_space<hbm>> -> memref<64x200xi32, #tpu.memory_space<hbm>>
    tpu.enqueue_dma source(%dma_start3A_7 : memref<64x200xi32, #tpu.memory_space<hbm>>) target(%arg6 : memref<64x200xi32, #tpu.memory_space<vmem>>) target_semaphore(%arg12 : memref<!tpu.dma_semaphore, #tpu.memory_space<semaphore_mem>>)
    %add3A_8 = arith.constant 64 : i32
    %add3A_9 = arith.addi %mul3A_2, %add3A_8 : i32
    %dma_start3A_10 = arith.constant 0 : i32
    %dma_start3A_11 = tpu.memref_slice %arg3[%add3A_9, %dma_start3A_10] : memref<16384x200xi32, #tpu.memory_space<hbm>> -> memref<64x200xi32, #tpu.memory_space<hbm>>
    %dma_start3A_12 = arith.constant 0 : i32
    %dma_start3A_13 = tpu.memref_slice %arg3[%add3A_9, %dma_start3A_12] : memref<16384x200xi32, #tpu.memory_space<hbm>> -> memref<64x200xi32, #tpu.memory_space<hbm>>
    tpu.enqueue_dma source(%dma_start3A_13 : memref<64x200xi32, #tpu.memory_space<hbm>>) target(%arg7 : memref<64x200xi32, #tpu.memory_space<vmem>>) target_semaphore(%arg13 : memref<!tpu.dma_semaphore, #tpu.memory_space<semaphore_mem>>)
    %add3A_14 = arith.constant 128 : i32
    %add3A_15 = arith.addi %mul3A_2, %add3A_14 : i32
    %dma_start3A_16 = arith.constant 0 : i32
    %dma_start3A_17 = tpu.memref_slice %arg3[%add3A_15, %dma_start3A_16] : memref<16384x200xi32, #tpu.memory_space<hbm>> -> memref<64x200xi32, #tpu.memory_space<hbm>>
    %dma_start3A_18 = arith.constant 0 : i32
    %dma_start3A_19 = tpu.memref_slice %arg3[%add3A_15, %dma_start3A_18] : memref<16384x200xi32, #tpu.memory_space<hbm>> -> memref<64x200xi32, #tpu.memory_space<hbm>>
    tpu.enqueue_dma source(%dma_start3A_19 : memref<64x200xi32, #tpu.memory_space<hbm>>) target(%arg8 : memref<64x200xi32, #tpu.memory_space<vmem>>) target_semaphore(%arg14 : memref<!tpu.dma_semaphore, #tpu.memory_space<semaphore_mem>>)
    %dma_wait3A = arith.constant 0 : i32
    %dma_wait3A_20 = tpu.memref_slice %arg3[%add3A_4, %dma_wait3A] : memref<16384x200xi32, #tpu.memory_space<hbm>> -> memref<64x200xi32, #tpu.memory_space<hbm>>
    %dma_wait3A_21 = arith.constant 0 : i32
    %dma_wait3A_22 = tpu.memref_slice %arg3[%add3A_4, %dma_wait3A_21] : memref<16384x200xi32, #tpu.memory_space<hbm>> -> memref<64x200xi32, #tpu.memory_space<hbm>>
    tpu.wait_dma2 semaphore(%arg12 : memref<!tpu.dma_semaphore, #tpu.memory_space<semaphore_mem>>) src(%dma_wait3A_22 : memref<64x200xi32, #tpu.memory_space<hbm>>) dst(%arg6 : memref<64x200xi32, #tpu.memory_space<vmem>>)
    %scan3A = arith.constant 0 : i32
    %scan3A_23 = arith.constant 0 : i32
    %scan3A_24 = arith.constant 64 : i32
    %scan3A_25 = arith.addi %scan3A_23, %scan3A_24 : i32
    %scan3A_26 = arith.constant 1 : i32
    scf.for %scan3A_208 = %scan3A_23 to %scan3A_25 step %scan3A_26  : i32 {
      %get3A = arith.index_cast %scan3A_208 : i32 to index
      %get3A_209 = arith.constant 0 : index
      %get3A_210 = tpu.vector_load %arg6[%get3A, %get3A_209] {strides = array<i32>} : memref<64x200xi32, #tpu.memory_space<vmem>>, vector<16xi32>,
      %get3A_211 = arith.index_cast %scan3A_208 : i32 to index
      %get3A_212 = arith.constant 16 : index
      %get3A_213 = tpu.vector_load %arg6[%get3A_211, %get3A_212] {strides = array<i32>} : memref<64x200xi32, #tpu.memory_space<vmem>>, vector<16xi32>,
      %get3A_214 = arith.index_cast %scan3A_208 : i32 to index
      %get3A_215 = arith.constant 32 : index
      %get3A_216 = tpu.vector_load %arg6[%get3A_214, %get3A_215] {strides = array<i32>} : memref<64x200xi32, #tpu.memory_space<vmem>>, vector<16xi32>,
      %get3A_217 = arith.index_cast %scan3A_208 : i32 to index
      %get3A_218 = arith.constant 48 : index
      %get3A_219 = tpu.vector_load %arg6[%get3A_217, %get3A_218] {strides = array<i32>} : memref<64x200xi32, #tpu.memory_space<vmem>>, vector<16xi32>,
      %get3A_220 = arith.index_cast %scan3A_208 : i32 to index
      %get3A_221 = arith.constant 64 : index
      %get3A_222 = tpu.vector_load %arg6[%get3A_220, %get3A_221] {strides = array<i32>} : memref<64x200xi32, #tpu.memory_space<vmem>>, vector<16xi32>,
      %get3A_223 = arith.index_cast %scan3A_208 : i32 to index
      %get3A_224 = arith.constant 80 : index
      %get3A_225 = tpu.vector_load %arg6[%get3A_223, %get3A_224] {strides = array<i32>} : memref<64x200xi32, #tpu.memory_space<vmem>>, vector<16xi32>,
      %get3A_226 = arith.index_cast %scan3A_208 : i32 to index
      %get3A_227 = arith.constant 96 : index
      %get3A_228 = tpu.vector_load %arg6[%get3A_226, %get3A_227] {strides = array<i32>} : memref<64x200xi32, #tpu.memory_space<vmem>>, vector<16xi32>,
      %get3A_229 = arith.index_cast %scan3A_208 : i32 to index
      %get3A_230 = arith.constant 112 : index
      %get3A_231 = tpu.vector_load %arg6[%get3A_229, %get3A_230] {strides = array<i32>} : memref<64x200xi32, #tpu.memory_space<vmem>>, vector<16xi32>,
      %get3A_232 = arith.index_cast %scan3A_208 : i32 to index
      %get3A_233 = arith.constant 128 : index
      %get3A_234 = tpu.vector_load %arg6[%get3A_232, %get3A_233] {strides = array<i32>} : memref<64x200xi32, #tpu.memory_space<vmem>>, vector<16xi32>,
      %get3A_235 = arith.index_cast %scan3A_208 : i32 to index
      %get3A_236 = arith.constant 144 : index
      %get3A_237 = tpu.vector_load %arg6[%get3A_235, %get3A_236] {strides = array<i32>} : memref<64x200xi32, #tpu.memory_space<vmem>>, vector<16xi32>,
      %get3A_238 = arith.index_cast %scan3A_208 : i32 to index
      %get3A_239 = arith.constant 160 : index
      %get3A_240 = tpu.vector_load %arg6[%get3A_238, %get3A_239] {strides = array<i32>} : memref<64x200xi32, #tpu.memory_space<vmem>>, vector<16xi32>,
      %get3A_241 = arith.index_cast %scan3A_208 : i32 to index
      %get3A_242 = arith.constant 176 : index
      %get3A_243 = tpu.vector_load %arg6[%get3A_241, %get3A_242] {strides = array<i32>} : memref<64x200xi32, #tpu.memory_space<vmem>>, vector<16xi32>,
      %get3A_244 = arith.index_cast %scan3A_208 : i32 to index
      %get3A_245 = arith.constant 184 : index
      %get3A_246 = tpu.vector_load %arg6[%get3A_244, %get3A_245] {strides = array<i32>} : memref<64x200xi32, #tpu.memory_space<vmem>>, vector<16xi32>,
      %gather3A = tpu.vector_load_idx %arg5[%get3A_210] : memref<1000xf32, #tpu.memory_space<vmem>>[vector<16xi32>], vector<16xf32>,
      %gather3A_247 = tpu.vector_load_idx %arg5[%get3A_213] : memref<1000xf32, #tpu.memory_space<vmem>>[vector<16xi32>], vector<16xf32>,
      %gather3A_248 = tpu.vector_load_idx %arg5[%get3A_216] : memref<1000xf32, #tpu.memory_space<vmem>>[vector<16xi32>], vector<16xf32>,
      %gather3A_249 = tpu.vector_load_idx %arg5[%get3A_219] : memref<1000xf32, #tpu.memory_space<vmem>>[vector<16xi32>], vector<16xf32>,
      %gather3A_250 = tpu.vector_load_idx %arg5[%get3A_222] : memref<1000xf32, #tpu.memory_space<vmem>>[vector<16xi32>], vector<16xf32>,
      %gather3A_251 = tpu.vector_load_idx %arg5[%get3A_225] : memref<1000xf32, #tpu.memory_space<vmem>>[vector<16xi32>], vector<16xf32>,
      %gather3A_252 = tpu.vector_load_idx %arg5[%get3A_228] : memref<1000xf32, #tpu.memory_space<vmem>>[vector<16xi32>], vector<16xf32>,
      %gather3A_253 = tpu.vector_load_idx %arg5[%get3A_231] : memref<1000xf32, #tpu.memory_space<vmem>>[vector<16xi32>], vector<16xf32>,
      %gather3A_254 = tpu.vector_load_idx %arg5[%get3A_234] : memref<1000xf32, #tpu.memory_space<vmem>>[vector<16xi32>], vector<16xf32>,
      %gather3A_255 = tpu.vector_load_idx %arg5[%get3A_237] : memref<1000xf32, #tpu.memory_space<vmem>>[vector<16xi32>], vector<16xf32>,
      %gather3A_256 = tpu.vector_load_idx %arg5[%get3A_240] : memref<1000xf32, #tpu.memory_space<vmem>>[vector<16xi32>], vector<16xf32>,
      %gather3A_257 = tpu.vector_load_idx %arg5[%get3A_243] : memref<1000xf32, #tpu.memory_space<vmem>>[vector<16xi32>], vector<16xf32>,
      %gather3A_258 = tpu.vector_load_idx %arg5[%get3A_246] : memref<1000xf32, #tpu.memory_space<vmem>>[vector<16xi32>], vector<16xf32>,
      %swap3A = arith.index_cast %scan3A_208 : i32 to index
      %swap3A_259 = arith.constant 0 : index
      %swap3A_260 = tpu.vector_load %arg9[%swap3A, %swap3A_259] {strides = array<i32>} : memref<64x200xf32, #tpu.memory_space<vmem>>, vector<16xf32>,
      tpu.vector_store %arg9[%swap3A, %swap3A_259], %gather3A {strides = array<i32>} : memref<64x200xf32, #tpu.memory_space<vmem>>, vector<16xf32>,
      %swap3A_261 = arith.index_cast %scan3A_208 : i32 to index
      %swap3A_262 = arith.constant 16 : index
      %swap3A_263 = tpu.vector_load %arg9[%swap3A_261, %swap3A_262] {strides = array<i32>} : memref<64x200xf32, #tpu.memory_space<vmem>>, vector<16xf32>,
      tpu.vector_store %arg9[%swap3A_261, %swap3A_262], %gather3A_247 {strides = array<i32>} : memref<64x200xf32, #tpu.memory_space<vmem>>, vector<16xf32>,
      %swap3A_264 = arith.index_cast %scan3A_208 : i32 to index
      %swap3A_265 = arith.constant 32 : index
      %swap3A_266 = tpu.vector_load %arg9[%swap3A_264, %swap3A_265] {strides = array<i32>} : memref<64x200xf32, #tpu.memory_space<vmem>>, vector<16xf32>,
      tpu.vector_store %arg9[%swap3A_264, %swap3A_265], %gather3A_248 {strides = array<i32>} : memref<64x200xf32, #tpu.memory_space<vmem>>, vector<16xf32>,
      %swap3A_267 = arith.index_cast %scan3A_208 : i32 to index
      %swap3A_268 = arith.constant 48 : index
      %swap3A_269 = tpu.vector_load %arg9[%swap3A_267, %swap3A_268] {strides = array<i32>} : memref<64x200xf32, #tpu.memory_space<vmem>>, vector<16xf32>,
      tpu.vector_store %arg9[%swap3A_267, %swap3A_268], %gather3A_249 {strides = array<i32>} : memref<64x200xf32, #tpu.memory_space<vmem>>, vector<16xf32>,
      %swap3A_270 = arith.index_cast %scan3A_208 : i32 to index
      %swap3A_271 = arith.constant 64 : index
      %swap3A_272 = tpu.vector_load %arg9[%swap3A_270, %swap3A_271] {strides = array<i32>} : memref<64x200xf32, #tpu.memory_space<vmem>>, vector<16xf32>,
      tpu.vector_store %arg9[%swap3A_270, %swap3A_271], %gather3A_250 {strides = array<i32>} : memref<64x200xf32, #tpu.memory_space<vmem>>, vector<16xf32>,
      %swap3A_273 = arith.index_cast %scan3A_208 : i32 to index
      %swap3A_274 = arith.constant 80 : index
      %swap3A_275 = tpu.vector_load %arg9[%swap3A_273, %swap3A_274] {strides = array<i32>} : memref<64x200xf32, #tpu.memory_space<vmem>>, vector<16xf32>,
      tpu.vector_store %arg9[%swap3A_273, %swap3A_274], %gather3A_251 {strides = array<i32>} : memref<64x200xf32, #tpu.memory_space<vmem>>, vector<16xf32>,
      %swap3A_276 = arith.index_cast %scan3A_208 : i32 to index
      %swap3A_277 = arith.constant 96 : index
      %swap3A_278 = tpu.vector_load %arg9[%swap3A_276, %swap3A_277] {strides = array<i32>} : memref<64x200xf32, #tpu.memory_space<vmem>>, vector<16xf32>,
      tpu.vector_store %arg9[%swap3A_276, %swap3A_277], %gather3A_252 {strides = array<i32>} : memref<64x200xf32, #tpu.memory_space<vmem>>, vector<16xf32>,
      %swap3A_279 = arith.index_cast %scan3A_208 : i32 to index
      %swap3A_280 = arith.constant 112 : index
      %swap3A_281 = tpu.vector_load %arg9[%swap3A_279, %swap3A_280] {strides = array<i32>} : memref<64x200xf32, #tpu.memory_space<vmem>>, vector<16xf32>,
      tpu.vector_store %arg9[%swap3A_279, %swap3A_280], %gather3A_253 {strides = array<i32>} : memref<64x200xf32, #tpu.memory_space<vmem>>, vector<16xf32>,
      %swap3A_282 = arith.index_cast %scan3A_208 : i32 to index
      %swap3A_283 = arith.constant 128 : index
      %swap3A_284 = tpu.vector_load %arg9[%swap3A_282, %swap3A_283] {strides = array<i32>} : memref<64x200xf32, #tpu.memory_space<vmem>>, vector<16xf32>,
      tpu.vector_store %arg9[%swap3A_282, %swap3A_283], %gather3A_254 {strides = array<i32>} : memref<64x200xf32, #tpu.memory_space<vmem>>, vector<16xf32>,
      %swap3A_285 = arith.index_cast %scan3A_208 : i32 to index
      %swap3A_286 = arith.constant 144 : index
      %swap3A_287 = tpu.vector_load %arg9[%swap3A_285, %swap3A_286] {strides = array<i32>} : memref<64x200xf32, #tpu.memory_space<vmem>>, vector<16xf32>,
      tpu.vector_store %arg9[%swap3A_285, %swap3A_286], %gather3A_255 {strides = array<i32>} : memref<64x200xf32, #tpu.memory_space<vmem>>, vector<16xf32>,
      %swap3A_288 = arith.index_cast %scan3A_208 : i32 to index
      %swap3A_289 = arith.constant 160 : index
      %swap3A_290 = tpu.vector_load %arg9[%swap3A_288, %swap3A_289] {strides = array<i32>} : memref<64x200xf32, #tpu.memory_space<vmem>>, vector<16xf32>,
      tpu.vector_store %arg9[%swap3A_288, %swap3A_289], %gather3A_256 {strides = array<i32>} : memref<64x200xf32, #tpu.memory_space<vmem>>, vector<16xf32>,
      %swap3A_291 = arith.index_cast %scan3A_208 : i32 to index
      %swap3A_292 = arith.constant 176 : index
      %swap3A_293 = tpu.vector_load %arg9[%swap3A_291, %swap3A_292] {strides = array<i32>} : memref<64x200xf32, #tpu.memory_space<vmem>>, vector<16xf32>,
      tpu.vector_store %arg9[%swap3A_291, %swap3A_292], %gather3A_257 {strides = array<i32>} : memref<64x200xf32, #tpu.memory_space<vmem>>, vector<16xf32>,
      %swap3A_294 = arith.index_cast %scan3A_208 : i32 to index
      %swap3A_295 = arith.constant 184 : index
      %swap3A_296 = tpu.vector_load %arg9[%swap3A_294, %swap3A_295] {strides = array<i32>} : memref<64x200xf32, #tpu.memory_space<vmem>>, vector<16xf32>,
      tpu.vector_store %arg9[%swap3A_294, %swap3A_295], %gather3A_258 {strides = array<i32>} : memref<64x200xf32, #tpu.memory_space<vmem>>, vector<16xf32>,
    }
    %scan3A_27 = arith.constant 64 : i32
    %add3A_28 = arith.constant 0 : i32
    %add3A_29 = arith.addi %mul3A_2, %add3A_28 : i32
    %dma_start3A_30 = arith.constant 0 : i32
    %dma_start3A_31 = tpu.memref_slice %arg4[%add3A_29, %dma_start3A_30] : memref<16384x200xf32, #tpu.memory_space<hbm>> -> memref<64x200xf32, #tpu.memory_space<hbm>>
    %dma_start3A_32 = arith.constant 0 : i32
    %dma_start3A_33 = tpu.memref_slice %arg4[%add3A_29, %dma_start3A_32] : memref<16384x200xf32, #tpu.memory_space<hbm>> -> memref<64x200xf32, #tpu.memory_space<hbm>>
    tpu.enqueue_dma source(%arg9 : memref<64x200xf32, #tpu.memory_space<vmem>>) target(%dma_start3A_33 : memref<64x200xf32, #tpu.memory_space<hbm>>) target_semaphore(%arg15 : memref<!tpu.dma_semaphore, #tpu.memory_space<semaphore_mem>>)
    %add3A_34 = arith.constant 192 : i32
    %add3A_35 = arith.addi %mul3A_2, %add3A_34 : i32
    %dma_start3A_36 = arith.constant 0 : i32
    %dma_start3A_37 = tpu.memref_slice %arg3[%add3A_35, %dma_start3A_36] : memref<16384x200xi32, #tpu.memory_space<hbm>> -> memref<64x200xi32, #tpu.memory_space<hbm>>
    %dma_start3A_38 = arith.constant 0 : i32
    %dma_start3A_39 = tpu.memref_slice %arg3[%add3A_35, %dma_start3A_38] : memref<16384x200xi32, #tpu.memory_space<hbm>> -> memref<64x200xi32, #tpu.memory_space<hbm>>
    tpu.enqueue_dma source(%dma_start3A_39 : memref<64x200xi32, #tpu.memory_space<hbm>>) target(%arg6 : memref<64x200xi32, #tpu.memory_space<vmem>>) target_semaphore(%arg12 : memref<!tpu.dma_semaphore, #tpu.memory_space<semaphore_mem>>)
    %dma_wait3A_40 = arith.constant 0 : i32
    %dma_wait3A_41 = tpu.memref_slice %arg3[%add3A_9, %dma_wait3A_40] : memref<16384x200xi32, #tpu.memory_space<hbm>> -> memref<64x200xi32, #tpu.memory_space<hbm>>
    %dma_wait3A_42 = arith.constant 0 : i32
    %dma_wait3A_43 = tpu.memref_slice %arg3[%add3A_9, %dma_wait3A_42] : memref<16384x200xi32, #tpu.memory_space<hbm>> -> memref<64x200xi32, #tpu.memory_space<hbm>>
    tpu.wait_dma2 semaphore(%arg13 : memref<!tpu.dma_semaphore, #tpu.memory_space<semaphore_mem>>) src(%dma_wait3A_43 : memref<64x200xi32, #tpu.memory_space<hbm>>) dst(%arg7 : memref<64x200xi32, #tpu.memory_space<vmem>>)
    %scan3A_44 = arith.constant 0 : i32
    %scan3A_45 = arith.constant 0 : i32
    %scan3A_46 = arith.constant 64 : i32
    %scan3A_47 = arith.addi %scan3A_45, %scan3A_46 : i32
    %scan3A_48 = arith.constant 1 : i32
    scf.for %scan3A_208 = %scan3A_45 to %scan3A_47 step %scan3A_48  : i32 {
      %get3A = arith.index_cast %scan3A_208 : i32 to index
      %get3A_209 = arith.constant 0 : index
      %get3A_210 = tpu.vector_load %arg7[%get3A, %get3A_209] {strides = array<i32>} : memref<64x200xi32, #tpu.memory_space<vmem>>, vector<16xi32>,
      %get3A_211 = arith.index_cast %scan3A_208 : i32 to index
      %get3A_212 = arith.constant 16 : index
      %get3A_213 = tpu.vector_load %arg7[%get3A_211, %get3A_212] {strides = array<i32>} : memref<64x200xi32, #tpu.memory_space<vmem>>, vector<16xi32>,
      %get3A_214 = arith.index_cast %scan3A_208 : i32 to index
      %get3A_215 = arith.constant 32 : index
      %get3A_216 = tpu.vector_load %arg7[%get3A_214, %get3A_215] {strides = array<i32>} : memref<64x200xi32, #tpu.memory_space<vmem>>, vector<16xi32>,
      %get3A_217 = arith.index_cast %scan3A_208 : i32 to index
      %get3A_218 = arith.constant 48 : index
      %get3A_219 = tpu.vector_load %arg7[%get3A_217, %get3A_218] {strides = array<i32>} : memref<64x200xi32, #tpu.memory_space<vmem>>, vector<16xi32>,
      %get3A_220 = arith.index_cast %scan3A_208 : i32 to index
      %get3A_221 = arith.constant 64 : index
      %get3A_222 = tpu.vector_load %arg7[%get3A_220, %get3A_221] {strides = array<i32>} : memref<64x200xi32, #tpu.memory_space<vmem>>, vector<16xi32>,
      %get3A_223 = arith.index_cast %scan3A_208 : i32 to index
      %get3A_224 = arith.constant 80 : index
      %get3A_225 = tpu.vector_load %arg7[%get3A_223, %get3A_224] {strides = array<i32>} : memref<64x200xi32, #tpu.memory_space<vmem>>, vector<16xi32>,
      %get3A_226 = arith.index_cast %scan3A_208 : i32 to index
      %get3A_227 = arith.constant 96 : index
      %get3A_228 = tpu.vector_load %arg7[%get3A_226, %get3A_227] {strides = array<i32>} : memref<64x200xi32, #tpu.memory_space<vmem>>, vector<16xi32>,
      %get3A_229 = arith.index_cast %scan3A_208 : i32 to index
      %get3A_230 = arith.constant 112 : index
      %get3A_231 = tpu.vector_load %arg7[%get3A_229, %get3A_230] {strides = array<i32>} : memref<64x200xi32, #tpu.memory_space<vmem>>, vector<16xi32>,
      %get3A_232 = arith.index_cast %scan3A_208 : i32 to index
      %get3A_233 = arith.constant 128 : index
      %get3A_234 = tpu.vector_load %arg7[%get3A_232, %get3A_233] {strides = array<i32>} : memref<64x200xi32, #tpu.memory_space<vmem>>, vector<16xi32>,
      %get3A_235 = arith.index_cast %scan3A_208 : i32 to index
      %get3A_236 = arith.constant 144 : index
      %get3A_237 = tpu.vector_load %arg7[%get3A_235, %get3A_236] {strides = array<i32>} : memref<64x200xi32, #tpu.memory_space<vmem>>, vector<16xi32>,
      %get3A_238 = arith.index_cast %scan3A_208 : i32 to index
      %get3A_239 = arith.constant 160 : index
      %get3A_240 = tpu.vector_load %arg7[%get3A_238, %get3A_239] {strides = array<i32>} : memref<64x200xi32, #tpu.memory_space<vmem>>, vector<16xi32>,
      %get3A_241 = arith.index_cast %scan3A_208 : i32 to index
      %get3A_242 = arith.constant 176 : index
      %get3A_243 = tpu.vector_load %arg7[%get3A_241, %get3A_242] {strides = array<i32>} : memref<64x200xi32, #tpu.memory_space<vmem>>, vector<16xi32>,
      %get3A_244 = arith.index_cast %scan3A_208 : i32 to index
      %get3A_245 = arith.constant 184 : index
      %get3A_246 = tpu.vector_load %arg7[%get3A_244, %get3A_245] {strides = array<i32>} : memref<64x200xi32, #tpu.memory_space<vmem>>, vector<16xi32>,
      %gather3A = tpu.vector_load_idx %arg5[%get3A_210] : memref<1000xf32, #tpu.memory_space<vmem>>[vector<16xi32>], vector<16xf32>,
      %gather3A_247 = tpu.vector_load_idx %arg5[%get3A_213] : memref<1000xf32, #tpu.memory_space<vmem>>[vector<16xi32>], vector<16xf32>,
      %gather3A_248 = tpu.vector_load_idx %arg5[%get3A_216] : memref<1000xf32, #tpu.memory_space<vmem>>[vector<16xi32>], vector<16xf32>,
      %gather3A_249 = tpu.vector_load_idx %arg5[%get3A_219] : memref<1000xf32, #tpu.memory_space<vmem>>[vector<16xi32>], vector<16xf32>,
      %gather3A_250 = tpu.vector_load_idx %arg5[%get3A_222] : memref<1000xf32, #tpu.memory_space<vmem>>[vector<16xi32>], vector<16xf32>,
      %gather3A_251 = tpu.vector_load_idx %arg5[%get3A_225] : memref<1000xf32, #tpu.memory_space<vmem>>[vector<16xi32>], vector<16xf32>,
      %gather3A_252 = tpu.vector_load_idx %arg5[%get3A_228] : memref<1000xf32, #tpu.memory_space<vmem>>[vector<16xi32>], vector<16xf32>,
      %gather3A_253 = tpu.vector_load_idx %arg5[%get3A_231] : memref<1000xf32, #tpu.memory_space<vmem>>[vector<16xi32>], vector<16xf32>,
      %gather3A_254 = tpu.vector_load_idx %arg5[%get3A_234] : memref<1000xf32, #tpu.memory_space<vmem>>[vector<16xi32>], vector<16xf32>,
      %gather3A_255 = tpu.vector_load_idx %arg5[%get3A_237] : memref<1000xf32, #tpu.memory_space<vmem>>[vector<16xi32>], vector<16xf32>,
      %gather3A_256 = tpu.vector_load_idx %arg5[%get3A_240] : memref<1000xf32, #tpu.memory_space<vmem>>[vector<16xi32>], vector<16xf32>,
      %gather3A_257 = tpu.vector_load_idx %arg5[%get3A_243] : memref<1000xf32, #tpu.memory_space<vmem>>[vector<16xi32>], vector<16xf32>,
      %gather3A_258 = tpu.vector_load_idx %arg5[%get3A_246] : memref<1000xf32, #tpu.memory_space<vmem>>[vector<16xi32>], vector<16xf32>,
      %swap3A = arith.index_cast %scan3A_208 : i32 to index
      %swap3A_259 = arith.constant 0 : index
      %swap3A_260 = tpu.vector_load %arg10[%swap3A, %swap3A_259] {strides = array<i32>} : memref<64x200xf32, #tpu.memory_space<vmem>>, vector<16xf32>,
      tpu.vector_store %arg10[%swap3A, %swap3A_259], %gather3A {strides = array<i32>} : memref<64x200xf32, #tpu.memory_space<vmem>>, vector<16xf32>,
      %swap3A_261 = arith.index_cast %scan3A_208 : i32 to index
      %swap3A_262 = arith.constant 16 : index
      %swap3A_263 = tpu.vector_load %arg10[%swap3A_261, %swap3A_262] {strides = array<i32>} : memref<64x200xf32, #tpu.memory_space<vmem>>, vector<16xf32>,
      tpu.vector_store %arg10[%swap3A_261, %swap3A_262], %gather3A_247 {strides = array<i32>} : memref<64x200xf32, #tpu.memory_space<vmem>>, vector<16xf32>,
      %swap3A_264 = arith.index_cast %scan3A_208 : i32 to index
      %swap3A_265 = arith.constant 32 : index
      %swap3A_266 = tpu.vector_load %arg10[%swap3A_264, %swap3A_265] {strides = array<i32>} : memref<64x200xf32, #tpu.memory_space<vmem>>, vector<16xf32>,
      tpu.vector_store %arg10[%swap3A_264, %swap3A_265], %gather3A_248 {strides = array<i32>} : memref<64x200xf32, #tpu.memory_space<vmem>>, vector<16xf32>,
      %swap3A_267 = arith.index_cast %scan3A_208 : i32 to index
      %swap3A_268 = arith.constant 48 : index
      %swap3A_269 = tpu.vector_load %arg10[%swap3A_267, %swap3A_268] {strides = array<i32>} : memref<64x200xf32, #tpu.memory_space<vmem>>, vector<16xf32>,
      tpu.vector_store %arg10[%swap3A_267, %swap3A_268], %gather3A_249 {strides = array<i32>} : memref<64x200xf32, #tpu.memory_space<vmem>>, vector<16xf32>,
      %swap3A_270 = arith.index_cast %scan3A_208 : i32 to index
      %swap3A_271 = arith.constant 64 : index
      %swap3A_272 = tpu.vector_load %arg10[%swap3A_270, %swap3A_271] {strides = array<i32>} : memref<64x200xf32, #tpu.memory_space<vmem>>, vector<16xf32>,
      tpu.vector_store %arg10[%swap3A_270, %swap3A_271], %gather3A_250 {strides = array<i32>} : memref<64x200xf32, #tpu.memory_space<vmem>>, vector<16xf32>,
      %swap3A_273 = arith.index_cast %scan3A_208 : i32 to index
      %swap3A_274 = arith.constant 80 : index
      %swap3A_275 = tpu.vector_load %arg10[%swap3A_273, %swap3A_274] {strides = array<i32>} : memref<64x200xf32, #tpu.memory_space<vmem>>, vector<16xf32>,
      tpu.vector_store %arg10[%swap3A_273, %swap3A_274], %gather3A_251 {strides = array<i32>} : memref<64x200xf32, #tpu.memory_space<vmem>>, vector<16xf32>,
      %swap3A_276 = arith.index_cast %scan3A_208 : i32 to index
      %swap3A_277 = arith.constant 96 : index
      %swap3A_278 = tpu.vector_load %arg10[%swap3A_276, %swap3A_277] {strides = array<i32>} : memref<64x200xf32, #tpu.memory_space<vmem>>, vector<16xf32>,
      tpu.vector_store %arg10[%swap3A_276, %swap3A_277], %gather3A_252 {strides = array<i32>} : memref<64x200xf32, #tpu.memory_space<vmem>>, vector<16xf32>,
      %swap3A_279 = arith.index_cast %scan3A_208 : i32 to index
      %swap3A_280 = arith.constant 112 : index
      %swap3A_281 = tpu.vector_load %arg10[%swap3A_279, %swap3A_280] {strides = array<i32>} : memref<64x200xf32, #tpu.memory_space<vmem>>, vector<16xf32>,
      tpu.vector_store %arg10[%swap3A_279, %swap3A_280], %gather3A_253 {strides = array<i32>} : memref<64x200xf32, #tpu.memory_space<vmem>>, vector<16xf32>,
      %swap3A_282 = arith.index_cast %scan3A_208 : i32 to index
      %swap3A_283 = arith.constant 128 : index
      %swap3A_284 = tpu.vector_load %arg10[%swap3A_282, %swap3A_283] {strides = array<i32>} : memref<64x200xf32, #tpu.memory_space<vmem>>, vector<16xf32>,
      tpu.vector_store %arg10[%swap3A_282, %swap3A_283], %gather3A_254 {strides = array<i32>} : memref<64x200xf32, #tpu.memory_space<vmem>>, vector<16xf32>,
      %swap3A_285 = arith.index_cast %scan3A_208 : i32 to index
      %swap3A_286 = arith.constant 144 : index
      %swap3A_287 = tpu.vector_load %arg10[%swap3A_285, %swap3A_286] {strides = array<i32>} : memref<64x200xf32, #tpu.memory_space<vmem>>, vector<16xf32>,
      tpu.vector_store %arg10[%swap3A_285, %swap3A_286], %gather3A_255 {strides = array<i32>} : memref<64x200xf32, #tpu.memory_space<vmem>>, vector<16xf32>,
      %swap3A_288 = arith.index_cast %scan3A_208 : i32 to index
      %swap3A_289 = arith.constant 160 : index
      %swap3A_290 = tpu.vector_load %arg10[%swap3A_288, %swap3A_289] {strides = array<i32>} : memref<64x200xf32, #tpu.memory_space<vmem>>, vector<16xf32>,
      tpu.vector_store %arg10[%swap3A_288, %swap3A_289], %gather3A_256 {strides = array<i32>} : memref<64x200xf32, #tpu.memory_space<vmem>>, vector<16xf32>,
      %swap3A_291 = arith.index_cast %scan3A_208 : i32 to index
      %swap3A_292 = arith.constant 176 : index
      %swap3A_293 = tpu.vector_load %arg10[%swap3A_291, %swap3A_292] {strides = array<i32>} : memref<64x200xf32, #tpu.memory_space<vmem>>, vector<16xf32>,
      tpu.vector_store %arg10[%swap3A_291, %swap3A_292], %gather3A_257 {strides = array<i32>} : memref<64x200xf32, #tpu.memory_space<vmem>>, vector<16xf32>,
      %swap3A_294 = arith.index_cast %scan3A_208 : i32 to index
      %swap3A_295 = arith.constant 184 : index
      %swap3A_296 = tpu.vector_load %arg10[%swap3A_294, %swap3A_295] {strides = array<i32>} : memref<64x200xf32, #tpu.memory_space<vmem>>, vector<16xf32>,
      tpu.vector_store %arg10[%swap3A_294, %swap3A_295], %gather3A_258 {strides = array<i32>} : memref<64x200xf32, #tpu.memory_space<vmem>>, vector<16xf32>,
    }
    %scan3A_49 = arith.constant 64 : i32
    %add3A_50 = arith.constant 64 : i32
    %add3A_51 = arith.addi %mul3A_2, %add3A_50 : i32
    %dma_start3A_52 = arith.constant 0 : i32
    %dma_start3A_53 = tpu.memref_slice %arg4[%add3A_51, %dma_start3A_52] : memref<16384x200xf32, #tpu.memory_space<hbm>> -> memref<64x200xf32, #tpu.memory_space<hbm>>
    %dma_start3A_54 = arith.constant 0 : i32
    %dma_start3A_55 = tpu.memref_slice %arg4[%add3A_51, %dma_start3A_54] : memref<16384x200xf32, #tpu.memory_space<hbm>> -> memref<64x200xf32, #tpu.memory_space<hbm>>
    tpu.enqueue_dma source(%arg10 : memref<64x200xf32, #tpu.memory_space<vmem>>) target(%dma_start3A_55 : memref<64x200xf32, #tpu.memory_space<hbm>>) target_semaphore(%arg16 : memref<!tpu.dma_semaphore, #tpu.memory_space<semaphore_mem>>)
    %add3A_56 = arith.constant 256 : i32
    %add3A_57 = arith.addi %mul3A_2, %add3A_56 : i32
    %dma_start3A_58 = arith.constant 0 : i32
    %dma_start3A_59 = tpu.memref_slice %arg3[%add3A_57, %dma_start3A_58] : memref<16384x200xi32, #tpu.memory_space<hbm>> -> memref<64x200xi32, #tpu.memory_space<hbm>>
    %dma_start3A_60 = arith.constant 0 : i32
    %dma_start3A_61 = tpu.memref_slice %arg3[%add3A_57, %dma_start3A_60] : memref<16384x200xi32, #tpu.memory_space<hbm>> -> memref<64x200xi32, #tpu.memory_space<hbm>>
    tpu.enqueue_dma source(%dma_start3A_61 : memref<64x200xi32, #tpu.memory_space<hbm>>) target(%arg7 : memref<64x200xi32, #tpu.memory_space<vmem>>) target_semaphore(%arg13 : memref<!tpu.dma_semaphore, #tpu.memory_space<semaphore_mem>>)
    %dma_wait3A_62 = arith.constant 0 : i32
    %dma_wait3A_63 = tpu.memref_slice %arg3[%add3A_15, %dma_wait3A_62] : memref<16384x200xi32, #tpu.memory_space<hbm>> -> memref<64x200xi32, #tpu.memory_space<hbm>>
    %dma_wait3A_64 = arith.constant 0 : i32
    %dma_wait3A_65 = tpu.memref_slice %arg3[%add3A_15, %dma_wait3A_64] : memref<16384x200xi32, #tpu.memory_space<hbm>> -> memref<64x200xi32, #tpu.memory_space<hbm>>
    tpu.wait_dma2 semaphore(%arg14 : memref<!tpu.dma_semaphore, #tpu.memory_space<semaphore_mem>>) src(%dma_wait3A_65 : memref<64x200xi32, #tpu.memory_space<hbm>>) dst(%arg8 : memref<64x200xi32, #tpu.memory_space<vmem>>)
    %scan3A_66 = arith.constant 0 : i32
    %scan3A_67 = arith.constant 0 : i32
    %scan3A_68 = arith.constant 64 : i32
    %scan3A_69 = arith.addi %scan3A_67, %scan3A_68 : i32
    %scan3A_70 = arith.constant 1 : i32
    scf.for %scan3A_208 = %scan3A_67 to %scan3A_69 step %scan3A_70  : i32 {
      %get3A = arith.index_cast %scan3A_208 : i32 to index
      %get3A_209 = arith.constant 0 : index
      %get3A_210 = tpu.vector_load %arg8[%get3A, %get3A_209] {strides = array<i32>} : memref<64x200xi32, #tpu.memory_space<vmem>>, vector<16xi32>,
      %get3A_211 = arith.index_cast %scan3A_208 : i32 to index
      %get3A_212 = arith.constant 16 : index
      %get3A_213 = tpu.vector_load %arg8[%get3A_211, %get3A_212] {strides = array<i32>} : memref<64x200xi32, #tpu.memory_space<vmem>>, vector<16xi32>,
      %get3A_214 = arith.index_cast %scan3A_208 : i32 to index
      %get3A_215 = arith.constant 32 : index
      %get3A_216 = tpu.vector_load %arg8[%get3A_214, %get3A_215] {strides = array<i32>} : memref<64x200xi32, #tpu.memory_space<vmem>>, vector<16xi32>,
      %get3A_217 = arith.index_cast %scan3A_208 : i32 to index
      %get3A_218 = arith.constant 48 : index
      %get3A_219 = tpu.vector_load %arg8[%get3A_217, %get3A_218] {strides = array<i32>} : memref<64x200xi32, #tpu.memory_space<vmem>>, vector<16xi32>,
      %get3A_220 = arith.index_cast %scan3A_208 : i32 to index
      %get3A_221 = arith.constant 64 : index
      %get3A_222 = tpu.vector_load %arg8[%get3A_220, %get3A_221] {strides = array<i32>} : memref<64x200xi32, #tpu.memory_space<vmem>>, vector<16xi32>,
      %get3A_223 = arith.index_cast %scan3A_208 : i32 to index
      %get3A_224 = arith.constant 80 : index
      %get3A_225 = tpu.vector_load %arg8[%get3A_223, %get3A_224] {strides = array<i32>} : memref<64x200xi32, #tpu.memory_space<vmem>>, vector<16xi32>,
      %get3A_226 = arith.index_cast %scan3A_208 : i32 to index
      %get3A_227 = arith.constant 96 : index
      %get3A_228 = tpu.vector_load %arg8[%get3A_226, %get3A_227] {strides = array<i32>} : memref<64x200xi32, #tpu.memory_space<vmem>>, vector<16xi32>,
      %get3A_229 = arith.index_cast %scan3A_208 : i32 to index
      %get3A_230 = arith.constant 112 : index
      %get3A_231 = tpu.vector_load %arg8[%get3A_229, %get3A_230] {strides = array<i32>} : memref<64x200xi32, #tpu.memory_space<vmem>>, vector<16xi32>,
      %get3A_232 = arith.index_cast %scan3A_208 : i32 to index
      %get3A_233 = arith.constant 128 : index
      %get3A_234 = tpu.vector_load %arg8[%get3A_232, %get3A_233] {strides = array<i32>} : memref<64x200xi32, #tpu.memory_space<vmem>>, vector<16xi32>,
      %get3A_235 = arith.index_cast %scan3A_208 : i32 to index
      %get3A_236 = arith.constant 144 : index
      %get3A_237 = tpu.vector_load %arg8[%get3A_235, %get3A_236] {strides = array<i32>} : memref<64x200xi32, #tpu.memory_space<vmem>>, vector<16xi32>,
      %get3A_238 = arith.index_cast %scan3A_208 : i32 to index
      %get3A_239 = arith.constant 160 : index
      %get3A_240 = tpu.vector_load %arg8[%get3A_238, %get3A_239] {strides = array<i32>} : memref<64x200xi32, #tpu.memory_space<vmem>>, vector<16xi32>,
      %get3A_241 = arith.index_cast %scan3A_208 : i32 to index
      %get3A_242 = arith.constant 176 : index
      %get3A_243 = tpu.vector_load %arg8[%get3A_241, %get3A_242] {strides = array<i32>} : memref<64x200xi32, #tpu.memory_space<vmem>>, vector<16xi32>,
      %get3A_244 = arith.index_cast %scan3A_208 : i32 to index
      %get3A_245 = arith.constant 184 : index
      %get3A_246 = tpu.vector_load %arg8[%get3A_244, %get3A_245] {strides = array<i32>} : memref<64x200xi32, #tpu.memory_space<vmem>>, vector<16xi32>,
      %gather3A = tpu.vector_load_idx %arg5[%get3A_210] : memref<1000xf32, #tpu.memory_space<vmem>>[vector<16xi32>], vector<16xf32>,
      %gather3A_247 = tpu.vector_load_idx %arg5[%get3A_213] : memref<1000xf32, #tpu.memory_space<vmem>>[vector<16xi32>], vector<16xf32>,
      %gather3A_248 = tpu.vector_load_idx %arg5[%get3A_216] : memref<1000xf32, #tpu.memory_space<vmem>>[vector<16xi32>], vector<16xf32>,
      %gather3A_249 = tpu.vector_load_idx %arg5[%get3A_219] : memref<1000xf32, #tpu.memory_space<vmem>>[vector<16xi32>], vector<16xf32>,
      %gather3A_250 = tpu.vector_load_idx %arg5[%get3A_222] : memref<1000xf32, #tpu.memory_space<vmem>>[vector<16xi32>], vector<16xf32>,
      %gather3A_251 = tpu.vector_load_idx %arg5[%get3A_225] : memref<1000xf32, #tpu.memory_space<vmem>>[vector<16xi32>], vector<16xf32>,
      %gather3A_252 = tpu.vector_load_idx %arg5[%get3A_228] : memref<1000xf32, #tpu.memory_space<vmem>>[vector<16xi32>], vector<16xf32>,
      %gather3A_253 = tpu.vector_load_idx %arg5[%get3A_231] : memref<1000xf32, #tpu.memory_space<vmem>>[vector<16xi32>], vector<16xf32>,
      %gather3A_254 = tpu.vector_load_idx %arg5[%get3A_234] : memref<1000xf32, #tpu.memory_space<vmem>>[vector<16xi32>], vector<16xf32>,
      %gather3A_255 = tpu.vector_load_idx %arg5[%get3A_237] : memref<1000xf32, #tpu.memory_space<vmem>>[vector<16xi32>], vector<16xf32>,
      %gather3A_256 = tpu.vector_load_idx %arg5[%get3A_240] : memref<1000xf32, #tpu.memory_space<vmem>>[vector<16xi32>], vector<16xf32>,
      %gather3A_257 = tpu.vector_load_idx %arg5[%get3A_243] : memref<1000xf32, #tpu.memory_space<vmem>>[vector<16xi32>], vector<16xf32>,
      %gather3A_258 = tpu.vector_load_idx %arg5[%get3A_246] : memref<1000xf32, #tpu.memory_space<vmem>>[vector<16xi32>], vector<16xf32>,
      %swap3A = arith.index_cast %scan3A_208 : i32 to index
      %swap3A_259 = arith.constant 0 : index
      %swap3A_260 = tpu.vector_load %arg11[%swap3A, %swap3A_259] {strides = array<i32>} : memref<64x200xf32, #tpu.memory_space<vmem>>, vector<16xf32>,
      tpu.vector_store %arg11[%swap3A, %swap3A_259], %gather3A {strides = array<i32>} : memref<64x200xf32, #tpu.memory_space<vmem>>, vector<16xf32>,
      %swap3A_261 = arith.index_cast %scan3A_208 : i32 to index
      %swap3A_262 = arith.constant 16 : index
      %swap3A_263 = tpu.vector_load %arg11[%swap3A_261, %swap3A_262] {strides = array<i32>} : memref<64x200xf32, #tpu.memory_space<vmem>>, vector<16xf32>,
      tpu.vector_store %arg11[%swap3A_261, %swap3A_262], %gather3A_247 {strides = array<i32>} : memref<64x200xf32, #tpu.memory_space<vmem>>, vector<16xf32>,
      %swap3A_264 = arith.index_cast %scan3A_208 : i32 to index
      %swap3A_265 = arith.constant 32 : index
      %swap3A_266 = tpu.vector_load %arg11[%swap3A_264, %swap3A_265] {strides = array<i32>} : memref<64x200xf32, #tpu.memory_space<vmem>>, vector<16xf32>,
      tpu.vector_store %arg11[%swap3A_264, %swap3A_265], %gather3A_248 {strides = array<i32>} : memref<64x200xf32, #tpu.memory_space<vmem>>, vector<16xf32>,
      %swap3A_267 = arith.index_cast %scan3A_208 : i32 to index
      %swap3A_268 = arith.constant 48 : index
      %swap3A_269 = tpu.vector_load %arg11[%swap3A_267, %swap3A_268] {strides = array<i32>} : memref<64x200xf32, #tpu.memory_space<vmem>>, vector<16xf32>,
      tpu.vector_store %arg11[%swap3A_267, %swap3A_268], %gather3A_249 {strides = array<i32>} : memref<64x200xf32, #tpu.memory_space<vmem>>, vector<16xf32>,
      %swap3A_270 = arith.index_cast %scan3A_208 : i32 to index
      %swap3A_271 = arith.constant 64 : index
      %swap3A_272 = tpu.vector_load %arg11[%swap3A_270, %swap3A_271] {strides = array<i32>} : memref<64x200xf32, #tpu.memory_space<vmem>>, vector<16xf32>,
      tpu.vector_store %arg11[%swap3A_270, %swap3A_271], %gather3A_250 {strides = array<i32>} : memref<64x200xf32, #tpu.memory_space<vmem>>, vector<16xf32>,
      %swap3A_273 = arith.index_cast %scan3A_208 : i32 to index
      %swap3A_274 = arith.constant 80 : index
      %swap3A_275 = tpu.vector_load %arg11[%swap3A_273, %swap3A_274] {strides = array<i32>} : memref<64x200xf32, #tpu.memory_space<vmem>>, vector<16xf32>,
      tpu.vector_store %arg11[%swap3A_273, %swap3A_274], %gather3A_251 {strides = array<i32>} : memref<64x200xf32, #tpu.memory_space<vmem>>, vector<16xf32>,
      %swap3A_276 = arith.index_cast %scan3A_208 : i32 to index
      %swap3A_277 = arith.constant 96 : index
      %swap3A_278 = tpu.vector_load %arg11[%swap3A_276, %swap3A_277] {strides = array<i32>} : memref<64x200xf32, #tpu.memory_space<vmem>>, vector<16xf32>,
      tpu.vector_store %arg11[%swap3A_276, %swap3A_277], %gather3A_252 {strides = array<i32>} : memref<64x200xf32, #tpu.memory_space<vmem>>, vector<16xf32>,
      %swap3A_279 = arith.index_cast %scan3A_208 : i32 to index
      %swap3A_280 = arith.constant 112 : index
      %swap3A_281 = tpu.vector_load %arg11[%swap3A_279, %swap3A_280] {strides = array<i32>} : memref<64x200xf32, #tpu.memory_space<vmem>>, vector<16xf32>,
      tpu.vector_store %arg11[%swap3A_279, %swap3A_280], %gather3A_253 {strides = array<i32>} : memref<64x200xf32, #tpu.memory_space<vmem>>, vector<16xf32>,
      %swap3A_282 = arith.index_cast %scan3A_208 : i32 to index
      %swap3A_283 = arith.constant 128 : index
      %swap3A_284 = tpu.vector_load %arg11[%swap3A_282, %swap3A_283] {strides = array<i32>} : memref<64x200xf32, #tpu.memory_space<vmem>>, vector<16xf32>,
      tpu.vector_store %arg11[%swap3A_282, %swap3A_283], %gather3A_254 {strides = array<i32>} : memref<64x200xf32, #tpu.memory_space<vmem>>, vector<16xf32>,
      %swap3A_285 = arith.index_cast %scan3A_208 : i32 to index
      %swap3A_286 = arith.constant 144 : index
      %swap3A_287 = tpu.vector_load %arg11[%swap3A_285, %swap3A_286] {strides = array<i32>} : memref<64x200xf32, #tpu.memory_space<vmem>>, vector<16xf32>,
      tpu.vector_store %arg11[%swap3A_285, %swap3A_286], %gather3A_255 {strides = array<i32>} : memref<64x200xf32, #tpu.memory_space<vmem>>, vector<16xf32>,
      %swap3A_288 = arith.index_cast %scan3A_208 : i32 to index
      %swap3A_289 = arith.constant 160 : index
      %swap3A_290 = tpu.vector_load %arg11[%swap3A_288, %swap3A_289] {strides = array<i32>} : memref<64x200xf32, #tpu.memory_space<vmem>>, vector<16xf32>,
      tpu.vector_store %arg11[%swap3A_288, %swap3A_289], %gather3A_256 {strides = array<i32>} : memref<64x200xf32, #tpu.memory_space<vmem>>, vector<16xf32>,
      %swap3A_291 = arith.index_cast %scan3A_208 : i32 to index
      %swap3A_292 = arith.constant 176 : index
      %swap3A_293 = tpu.vector_load %arg11[%swap3A_291, %swap3A_292] {strides = array<i32>} : memref<64x200xf32, #tpu.memory_space<vmem>>, vector<16xf32>,
      tpu.vector_store %arg11[%swap3A_291, %swap3A_292], %gather3A_257 {strides = array<i32>} : memref<64x200xf32, #tpu.memory_space<vmem>>, vector<16xf32>,
      %swap3A_294 = arith.index_cast %scan3A_208 : i32 to index
      %swap3A_295 = arith.constant 184 : index
      %swap3A_296 = tpu.vector_load %arg11[%swap3A_294, %swap3A_295] {strides = array<i32>} : memref<64x200xf32, #tpu.memory_space<vmem>>, vector<16xf32>,
      tpu.vector_store %arg11[%swap3A_294, %swap3A_295], %gather3A_258 {strides = array<i32>} : memref<64x200xf32, #tpu.memory_space<vmem>>, vector<16xf32>,
    }
    %scan3A_71 = arith.constant 64 : i32
    %add3A_72 = arith.constant 128 : i32
    %add3A_73 = arith.addi %mul3A_2, %add3A_72 : i32
    %dma_start3A_74 = arith.constant 0 : i32
    %dma_start3A_75 = tpu.memref_slice %arg4[%add3A_73, %dma_start3A_74] : memref<16384x200xf32, #tpu.memory_space<hbm>> -> memref<64x200xf32, #tpu.memory_space<hbm>>
    %dma_start3A_76 = arith.constant 0 : i32
    %dma_start3A_77 = tpu.memref_slice %arg4[%add3A_73, %dma_start3A_76] : memref<16384x200xf32, #tpu.memory_space<hbm>> -> memref<64x200xf32, #tpu.memory_space<hbm>>
    tpu.enqueue_dma source(%arg11 : memref<64x200xf32, #tpu.memory_space<vmem>>) target(%dma_start3A_77 : memref<64x200xf32, #tpu.memory_space<hbm>>) target_semaphore(%arg17 : memref<!tpu.dma_semaphore, #tpu.memory_space<semaphore_mem>>)
    %add3A_78 = arith.constant 320 : i32
    %add3A_79 = arith.addi %mul3A_2, %add3A_78 : i32
    %dma_start3A_80 = arith.constant 0 : i32
    %dma_start3A_81 = tpu.memref_slice %arg3[%add3A_79, %dma_start3A_80] : memref<16384x200xi32, #tpu.memory_space<hbm>> -> memref<64x200xi32, #tpu.memory_space<hbm>>
    %dma_start3A_82 = arith.constant 0 : i32
    %dma_start3A_83 = tpu.memref_slice %arg3[%add3A_79, %dma_start3A_82] : memref<16384x200xi32, #tpu.memory_space<hbm>> -> memref<64x200xi32, #tpu.memory_space<hbm>>
    tpu.enqueue_dma source(%dma_start3A_83 : memref<64x200xi32, #tpu.memory_space<hbm>>) target(%arg8 : memref<64x200xi32, #tpu.memory_space<vmem>>) target_semaphore(%arg14 : memref<!tpu.dma_semaphore, #tpu.memory_space<semaphore_mem>>)
    %dma_wait3A_84 = arith.constant 0 : i32
    %dma_wait3A_85 = tpu.memref_slice %arg3[%add3A_35, %dma_wait3A_84] : memref<16384x200xi32, #tpu.memory_space<hbm>> -> memref<64x200xi32, #tpu.memory_space<hbm>>
    %dma_wait3A_86 = arith.constant 0 : i32
    %dma_wait3A_87 = tpu.memref_slice %arg3[%add3A_35, %dma_wait3A_86] : memref<16384x200xi32, #tpu.memory_space<hbm>> -> memref<64x200xi32, #tpu.memory_space<hbm>>
    tpu.wait_dma2 semaphore(%arg12 : memref<!tpu.dma_semaphore, #tpu.memory_space<semaphore_mem>>) src(%dma_wait3A_87 : memref<64x200xi32, #tpu.memory_space<hbm>>) dst(%arg6 : memref<64x200xi32, #tpu.memory_space<vmem>>)
    %dma_wait3A_88 = arith.constant 0 : i32
    %dma_wait3A_89 = tpu.memref_slice %arg4[%add3A_29, %dma_wait3A_88] : memref<16384x200xf32, #tpu.memory_space<hbm>> -> memref<64x200xf32, #tpu.memory_space<hbm>>
    %dma_wait3A_90 = arith.constant 0 : i32
    %dma_wait3A_91 = tpu.memref_slice %arg4[%add3A_29, %dma_wait3A_90] : memref<16384x200xf32, #tpu.memory_space<hbm>> -> memref<64x200xf32, #tpu.memory_space<hbm>>
    tpu.wait_dma2 semaphore(%arg15 : memref<!tpu.dma_semaphore, #tpu.memory_space<semaphore_mem>>) src(%arg9 : memref<64x200xf32, #tpu.memory_space<vmem>>) dst(%dma_wait3A_91 : memref<64x200xf32, #tpu.memory_space<hbm>>)
    %scan3A_92 = arith.constant 0 : i32
    %scan3A_93 = arith.constant 0 : i32
    %scan3A_94 = arith.constant 64 : i32
    %scan3A_95 = arith.addi %scan3A_93, %scan3A_94 : i32
    %scan3A_96 = arith.constant 1 : i32
    scf.for %scan3A_208 = %scan3A_93 to %scan3A_95 step %scan3A_96  : i32 {
      %get3A = arith.index_cast %scan3A_208 : i32 to index
      %get3A_209 = arith.constant 0 : index
      %get3A_210 = tpu.vector_load %arg6[%get3A, %get3A_209] {strides = array<i32>} : memref<64x200xi32, #tpu.memory_space<vmem>>, vector<16xi32>,
      %get3A_211 = arith.index_cast %scan3A_208 : i32 to index
      %get3A_212 = arith.constant 16 : index
      %get3A_213 = tpu.vector_load %arg6[%get3A_211, %get3A_212] {strides = array<i32>} : memref<64x200xi32, #tpu.memory_space<vmem>>, vector<16xi32>,
      %get3A_214 = arith.index_cast %scan3A_208 : i32 to index
      %get3A_215 = arith.constant 32 : index
      %get3A_216 = tpu.vector_load %arg6[%get3A_214, %get3A_215] {strides = array<i32>} : memref<64x200xi32, #tpu.memory_space<vmem>>, vector<16xi32>,
      %get3A_217 = arith.index_cast %scan3A_208 : i32 to index
      %get3A_218 = arith.constant 48 : index
      %get3A_219 = tpu.vector_load %arg6[%get3A_217, %get3A_218] {strides = array<i32>} : memref<64x200xi32, #tpu.memory_space<vmem>>, vector<16xi32>,
      %get3A_220 = arith.index_cast %scan3A_208 : i32 to index
      %get3A_221 = arith.constant 64 : index
      %get3A_222 = tpu.vector_load %arg6[%get3A_220, %get3A_221] {strides = array<i32>} : memref<64x200xi32, #tpu.memory_space<vmem>>, vector<16xi32>,
      %get3A_223 = arith.index_cast %scan3A_208 : i32 to index
      %get3A_224 = arith.constant 80 : index
      %get3A_225 = tpu.vector_load %arg6[%get3A_223, %get3A_224] {strides = array<i32>} : memref<64x200xi32, #tpu.memory_space<vmem>>, vector<16xi32>,
      %get3A_226 = arith.index_cast %scan3A_208 : i32 to index
      %get3A_227 = arith.constant 96 : index
      %get3A_228 = tpu.vector_load %arg6[%get3A_226, %get3A_227] {strides = array<i32>} : memref<64x200xi32, #tpu.memory_space<vmem>>, vector<16xi32>,
      %get3A_229 = arith.index_cast %scan3A_208 : i32 to index
      %get3A_230 = arith.constant 112 : index
      %get3A_231 = tpu.vector_load %arg6[%get3A_229, %get3A_230] {strides = array<i32>} : memref<64x200xi32, #tpu.memory_space<vmem>>, vector<16xi32>,
      %get3A_232 = arith.index_cast %scan3A_208 : i32 to index
      %get3A_233 = arith.constant 128 : index
      %get3A_234 = tpu.vector_load %arg6[%get3A_232, %get3A_233] {strides = array<i32>} : memref<64x200xi32, #tpu.memory_space<vmem>>, vector<16xi32>,
      %get3A_235 = arith.index_cast %scan3A_208 : i32 to index
      %get3A_236 = arith.constant 144 : index
      %get3A_237 = tpu.vector_load %arg6[%get3A_235, %get3A_236] {strides = array<i32>} : memref<64x200xi32, #tpu.memory_space<vmem>>, vector<16xi32>,
      %get3A_238 = arith.index_cast %scan3A_208 : i32 to index
      %get3A_239 = arith.constant 160 : index
      %get3A_240 = tpu.vector_load %arg6[%get3A_238, %get3A_239] {strides = array<i32>} : memref<64x200xi32, #tpu.memory_space<vmem>>, vector<16xi32>,
      %get3A_241 = arith.index_cast %scan3A_208 : i32 to index
      %get3A_242 = arith.constant 176 : index
      %get3A_243 = tpu.vector_load %arg6[%get3A_241, %get3A_242] {strides = array<i32>} : memref<64x200xi32, #tpu.memory_space<vmem>>, vector<16xi32>,
      %get3A_244 = arith.index_cast %scan3A_208 : i32 to index
      %get3A_245 = arith.constant 184 : index
      %get3A_246 = tpu.vector_load %arg6[%get3A_244, %get3A_245] {strides = array<i32>} : memref<64x200xi32, #tpu.memory_space<vmem>>, vector<16xi32>,
      %gather3A = tpu.vector_load_idx %arg5[%get3A_210] : memref<1000xf32, #tpu.memory_space<vmem>>[vector<16xi32>], vector<16xf32>,
      %gather3A_247 = tpu.vector_load_idx %arg5[%get3A_213] : memref<1000xf32, #tpu.memory_space<vmem>>[vector<16xi32>], vector<16xf32>,
      %gather3A_248 = tpu.vector_load_idx %arg5[%get3A_216] : memref<1000xf32, #tpu.memory_space<vmem>>[vector<16xi32>], vector<16xf32>,
      %gather3A_249 = tpu.vector_load_idx %arg5[%get3A_219] : memref<1000xf32, #tpu.memory_space<vmem>>[vector<16xi32>], vector<16xf32>,
      %gather3A_250 = tpu.vector_load_idx %arg5[%get3A_222] : memref<1000xf32, #tpu.memory_space<vmem>>[vector<16xi32>], vector<16xf32>,
      %gather3A_251 = tpu.vector_load_idx %arg5[%get3A_225] : memref<1000xf32, #tpu.memory_space<vmem>>[vector<16xi32>], vector<16xf32>,
      %gather3A_252 = tpu.vector_load_idx %arg5[%get3A_228] : memref<1000xf32, #tpu.memory_space<vmem>>[vector<16xi32>], vector<16xf32>,
      %gather3A_253 = tpu.vector_load_idx %arg5[%get3A_231] : memref<1000xf32, #tpu.memory_space<vmem>>[vector<16xi32>], vector<16xf32>,
      %gather3A_254 = tpu.vector_load_idx %arg5[%get3A_234] : memref<1000xf32, #tpu.memory_space<vmem>>[vector<16xi32>], vector<16xf32>,
      %gather3A_255 = tpu.vector_load_idx %arg5[%get3A_237] : memref<1000xf32, #tpu.memory_space<vmem>>[vector<16xi32>], vector<16xf32>,
      %gather3A_256 = tpu.vector_load_idx %arg5[%get3A_240] : memref<1000xf32, #tpu.memory_space<vmem>>[vector<16xi32>], vector<16xf32>,
      %gather3A_257 = tpu.vector_load_idx %arg5[%get3A_243] : memref<1000xf32, #tpu.memory_space<vmem>>[vector<16xi32>], vector<16xf32>,
      %gather3A_258 = tpu.vector_load_idx %arg5[%get3A_246] : memref<1000xf32, #tpu.memory_space<vmem>>[vector<16xi32>], vector<16xf32>,
      %swap3A = arith.index_cast %scan3A_208 : i32 to index
      %swap3A_259 = arith.constant 0 : index
      %swap3A_260 = tpu.vector_load %arg9[%swap3A, %swap3A_259] {strides = array<i32>} : memref<64x200xf32, #tpu.memory_space<vmem>>, vector<16xf32>,
      tpu.vector_store %arg9[%swap3A, %swap3A_259], %gather3A {strides = array<i32>} : memref<64x200xf32, #tpu.memory_space<vmem>>, vector<16xf32>,
      %swap3A_261 = arith.index_cast %scan3A_208 : i32 to index
      %swap3A_262 = arith.constant 16 : index
      %swap3A_263 = tpu.vector_load %arg9[%swap3A_261, %swap3A_262] {strides = array<i32>} : memref<64x200xf32, #tpu.memory_space<vmem>>, vector<16xf32>,
      tpu.vector_store %arg9[%swap3A_261, %swap3A_262], %gather3A_247 {strides = array<i32>} : memref<64x200xf32, #tpu.memory_space<vmem>>, vector<16xf32>,
      %swap3A_264 = arith.index_cast %scan3A_208 : i32 to index
      %swap3A_265 = arith.constant 32 : index
      %swap3A_266 = tpu.vector_load %arg9[%swap3A_264, %swap3A_265] {strides = array<i32>} : memref<64x200xf32, #tpu.memory_space<vmem>>, vector<16xf32>,
      tpu.vector_store %arg9[%swap3A_264, %swap3A_265], %gather3A_248 {strides = array<i32>} : memref<64x200xf32, #tpu.memory_space<vmem>>, vector<16xf32>,
      %swap3A_267 = arith.index_cast %scan3A_208 : i32 to index
      %swap3A_268 = arith.constant 48 : index
      %swap3A_269 = tpu.vector_load %arg9[%swap3A_267, %swap3A_268] {strides = array<i32>} : memref<64x200xf32, #tpu.memory_space<vmem>>, vector<16xf32>,
      tpu.vector_store %arg9[%swap3A_267, %swap3A_268], %gather3A_249 {strides = array<i32>} : memref<64x200xf32, #tpu.memory_space<vmem>>, vector<16xf32>,
      %swap3A_270 = arith.index_cast %scan3A_208 : i32 to index
      %swap3A_271 = arith.constant 64 : index
      %swap3A_272 = tpu.vector_load %arg9[%swap3A_270, %swap3A_271] {strides = array<i32>} : memref<64x200xf32, #tpu.memory_space<vmem>>, vector<16xf32>,
      tpu.vector_store %arg9[%swap3A_270, %swap3A_271], %gather3A_250 {strides = array<i32>} : memref<64x200xf32, #tpu.memory_space<vmem>>, vector<16xf32>,
      %swap3A_273 = arith.index_cast %scan3A_208 : i32 to index
      %swap3A_274 = arith.constant 80 : index
      %swap3A_275 = tpu.vector_load %arg9[%swap3A_273, %swap3A_274] {strides = array<i32>} : memref<64x200xf32, #tpu.memory_space<vmem>>, vector<16xf32>,
      tpu.vector_store %arg9[%swap3A_273, %swap3A_274], %gather3A_251 {strides = array<i32>} : memref<64x200xf32, #tpu.memory_space<vmem>>, vector<16xf32>,
      %swap3A_276 = arith.index_cast %scan3A_208 : i32 to index
      %swap3A_277 = arith.constant 96 : index
      %swap3A_278 = tpu.vector_load %arg9[%swap3A_276, %swap3A_277] {strides = array<i32>} : memref<64x200xf32, #tpu.memory_space<vmem>>, vector<16xf32>,
      tpu.vector_store %arg9[%swap3A_276, %swap3A_277], %gather3A_252 {strides = array<i32>} : memref<64x200xf32, #tpu.memory_space<vmem>>, vector<16xf32>,
      %swap3A_279 = arith.index_cast %scan3A_208 : i32 to index
      %swap3A_280 = arith.constant 112 : index
      %swap3A_281 = tpu.vector_load %arg9[%swap3A_279, %swap3A_280] {strides = array<i32>} : memref<64x200xf32, #tpu.memory_space<vmem>>, vector<16xf32>,
      tpu.vector_store %arg9[%swap3A_279, %swap3A_280], %gather3A_253 {strides = array<i32>} : memref<64x200xf32, #tpu.memory_space<vmem>>, vector<16xf32>,
      %swap3A_282 = arith.index_cast %scan3A_208 : i32 to index
      %swap3A_283 = arith.constant 128 : index
      %swap3A_284 = tpu.vector_load %arg9[%swap3A_282, %swap3A_283] {strides = array<i32>} : memref<64x200xf32, #tpu.memory_space<vmem>>, vector<16xf32>,
      tpu.vector_store %arg9[%swap3A_282, %swap3A_283], %gather3A_254 {strides = array<i32>} : memref<64x200xf32, #tpu.memory_space<vmem>>, vector<16xf32>,
      %swap3A_285 = arith.index_cast %scan3A_208 : i32 to index
      %swap3A_286 = arith.constant 144 : index
      %swap3A_287 = tpu.vector_load %arg9[%swap3A_285, %swap3A_286] {strides = array<i32>} : memref<64x200xf32, #tpu.memory_space<vmem>>, vector<16xf32>,
      tpu.vector_store %arg9[%swap3A_285, %swap3A_286], %gather3A_255 {strides = array<i32>} : memref<64x200xf32, #tpu.memory_space<vmem>>, vector<16xf32>,
      %swap3A_288 = arith.index_cast %scan3A_208 : i32 to index
      %swap3A_289 = arith.constant 160 : index
      %swap3A_290 = tpu.vector_load %arg9[%swap3A_288, %swap3A_289] {strides = array<i32>} : memref<64x200xf32, #tpu.memory_space<vmem>>, vector<16xf32>,
      tpu.vector_store %arg9[%swap3A_288, %swap3A_289], %gather3A_256 {strides = array<i32>} : memref<64x200xf32, #tpu.memory_space<vmem>>, vector<16xf32>,
      %swap3A_291 = arith.index_cast %scan3A_208 : i32 to index
      %swap3A_292 = arith.constant 176 : index
      %swap3A_293 = tpu.vector_load %arg9[%swap3A_291, %swap3A_292] {strides = array<i32>} : memref<64x200xf32, #tpu.memory_space<vmem>>, vector<16xf32>,
      tpu.vector_store %arg9[%swap3A_291, %swap3A_292], %gather3A_257 {strides = array<i32>} : memref<64x200xf32, #tpu.memory_space<vmem>>, vector<16xf32>,
      %swap3A_294 = arith.index_cast %scan3A_208 : i32 to index
      %swap3A_295 = arith.constant 184 : index
      %swap3A_296 = tpu.vector_load %arg9[%swap3A_294, %swap3A_295] {strides = array<i32>} : memref<64x200xf32, #tpu.memory_space<vmem>>, vector<16xf32>,
      tpu.vector_store %arg9[%swap3A_294, %swap3A_295], %gather3A_258 {strides = array<i32>} : memref<64x200xf32, #tpu.memory_space<vmem>>, vector<16xf32>,
    }
    %scan3A_97 = arith.constant 64 : i32
    %add3A_98 = arith.constant 192 : i32
    %add3A_99 = arith.addi %mul3A_2, %add3A_98 : i32
    %dma_start3A_100 = arith.constant 0 : i32
    %dma_start3A_101 = tpu.memref_slice %arg4[%add3A_99, %dma_start3A_100] : memref<16384x200xf32, #tpu.memory_space<hbm>> -> memref<64x200xf32, #tpu.memory_space<hbm>>
    %dma_start3A_102 = arith.constant 0 : i32
    %dma_start3A_103 = tpu.memref_slice %arg4[%add3A_99, %dma_start3A_102] : memref<16384x200xf32, #tpu.memory_space<hbm>> -> memref<64x200xf32, #tpu.memory_space<hbm>>
    tpu.enqueue_dma source(%arg9 : memref<64x200xf32, #tpu.memory_space<vmem>>) target(%dma_start3A_103 : memref<64x200xf32, #tpu.memory_space<hbm>>) target_semaphore(%arg15 : memref<!tpu.dma_semaphore, #tpu.memory_space<semaphore_mem>>)
    %add3A_104 = arith.constant 384 : i32
    %add3A_105 = arith.addi %mul3A_2, %add3A_104 : i32
    %dma_start3A_106 = arith.constant 0 : i32
    %dma_start3A_107 = tpu.memref_slice %arg3[%add3A_105, %dma_start3A_106] : memref<16384x200xi32, #tpu.memory_space<hbm>> -> memref<64x200xi32, #tpu.memory_space<hbm>>
    %dma_start3A_108 = arith.constant 0 : i32
    %dma_start3A_109 = tpu.memref_slice %arg3[%add3A_105, %dma_start3A_108] : memref<16384x200xi32, #tpu.memory_space<hbm>> -> memref<64x200xi32, #tpu.memory_space<hbm>>
    tpu.enqueue_dma source(%dma_start3A_109 : memref<64x200xi32, #tpu.memory_space<hbm>>) target(%arg6 : memref<64x200xi32, #tpu.memory_space<vmem>>) target_semaphore(%arg12 : memref<!tpu.dma_semaphore, #tpu.memory_space<semaphore_mem>>)
    %dma_wait3A_110 = arith.constant 0 : i32
    %dma_wait3A_111 = tpu.memref_slice %arg3[%add3A_57, %dma_wait3A_110] : memref<16384x200xi32, #tpu.memory_space<hbm>> -> memref<64x200xi32, #tpu.memory_space<hbm>>
    %dma_wait3A_112 = arith.constant 0 : i32
    %dma_wait3A_113 = tpu.memref_slice %arg3[%add3A_57, %dma_wait3A_112] : memref<16384x200xi32, #tpu.memory_space<hbm>> -> memref<64x200xi32, #tpu.memory_space<hbm>>
    tpu.wait_dma2 semaphore(%arg13 : memref<!tpu.dma_semaphore, #tpu.memory_space<semaphore_mem>>) src(%dma_wait3A_113 : memref<64x200xi32, #tpu.memory_space<hbm>>) dst(%arg7 : memref<64x200xi32, #tpu.memory_space<vmem>>)
    %dma_wait3A_114 = arith.constant 0 : i32
    %dma_wait3A_115 = tpu.memref_slice %arg4[%add3A_51, %dma_wait3A_114] : memref<16384x200xf32, #tpu.memory_space<hbm>> -> memref<64x200xf32, #tpu.memory_space<hbm>>
    %dma_wait3A_116 = arith.constant 0 : i32
    %dma_wait3A_117 = tpu.memref_slice %arg4[%add3A_51, %dma_wait3A_116] : memref<16384x200xf32, #tpu.memory_space<hbm>> -> memref<64x200xf32, #tpu.memory_space<hbm>>
    tpu.wait_dma2 semaphore(%arg16 : memref<!tpu.dma_semaphore, #tpu.memory_space<semaphore_mem>>) src(%arg10 : memref<64x200xf32, #tpu.memory_space<vmem>>) dst(%dma_wait3A_117 : memref<64x200xf32, #tpu.memory_space<hbm>>)
    %scan3A_118 = arith.constant 0 : i32
    %scan3A_119 = arith.constant 0 : i32
    %scan3A_120 = arith.constant 64 : i32
    %scan3A_121 = arith.addi %scan3A_119, %scan3A_120 : i32
    %scan3A_122 = arith.constant 1 : i32
    scf.for %scan3A_208 = %scan3A_119 to %scan3A_121 step %scan3A_122  : i32 {
      %get3A = arith.index_cast %scan3A_208 : i32 to index
      %get3A_209 = arith.constant 0 : index
      %get3A_210 = tpu.vector_load %arg7[%get3A, %get3A_209] {strides = array<i32>} : memref<64x200xi32, #tpu.memory_space<vmem>>, vector<16xi32>,
      %get3A_211 = arith.index_cast %scan3A_208 : i32 to index
      %get3A_212 = arith.constant 16 : index
      %get3A_213 = tpu.vector_load %arg7[%get3A_211, %get3A_212] {strides = array<i32>} : memref<64x200xi32, #tpu.memory_space<vmem>>, vector<16xi32>,
      %get3A_214 = arith.index_cast %scan3A_208 : i32 to index
      %get3A_215 = arith.constant 32 : index
      %get3A_216 = tpu.vector_load %arg7[%get3A_214, %get3A_215] {strides = array<i32>} : memref<64x200xi32, #tpu.memory_space<vmem>>, vector<16xi32>,
      %get3A_217 = arith.index_cast %scan3A_208 : i32 to index
      %get3A_218 = arith.constant 48 : index
      %get3A_219 = tpu.vector_load %arg7[%get3A_217, %get3A_218] {strides = array<i32>} : memref<64x200xi32, #tpu.memory_space<vmem>>, vector<16xi32>,
      %get3A_220 = arith.index_cast %scan3A_208 : i32 to index
      %get3A_221 = arith.constant 64 : index
      %get3A_222 = tpu.vector_load %arg7[%get3A_220, %get3A_221] {strides = array<i32>} : memref<64x200xi32, #tpu.memory_space<vmem>>, vector<16xi32>,
      %get3A_223 = arith.index_cast %scan3A_208 : i32 to index
      %get3A_224 = arith.constant 80 : index
      %get3A_225 = tpu.vector_load %arg7[%get3A_223, %get3A_224] {strides = array<i32>} : memref<64x200xi32, #tpu.memory_space<vmem>>, vector<16xi32>,
      %get3A_226 = arith.index_cast %scan3A_208 : i32 to index
      %get3A_227 = arith.constant 96 : index
      %get3A_228 = tpu.vector_load %arg7[%get3A_226, %get3A_227] {strides = array<i32>} : memref<64x200xi32, #tpu.memory_space<vmem>>, vector<16xi32>,
      %get3A_229 = arith.index_cast %scan3A_208 : i32 to index
      %get3A_230 = arith.constant 112 : index
      %get3A_231 = tpu.vector_load %arg7[%get3A_229, %get3A_230] {strides = array<i32>} : memref<64x200xi32, #tpu.memory_space<vmem>>, vector<16xi32>,
      %get3A_232 = arith.index_cast %scan3A_208 : i32 to index
      %get3A_233 = arith.constant 128 : index
      %get3A_234 = tpu.vector_load %arg7[%get3A_232, %get3A_233] {strides = array<i32>} : memref<64x200xi32, #tpu.memory_space<vmem>>, vector<16xi32>,
      %get3A_235 = arith.index_cast %scan3A_208 : i32 to index
      %get3A_236 = arith.constant 144 : index
      %get3A_237 = tpu.vector_load %arg7[%get3A_235, %get3A_236] {strides = array<i32>} : memref<64x200xi32, #tpu.memory_space<vmem>>, vector<16xi32>,
      %get3A_238 = arith.index_cast %scan3A_208 : i32 to index
      %get3A_239 = arith.constant 160 : index
      %get3A_240 = tpu.vector_load %arg7[%get3A_238, %get3A_239] {strides = array<i32>} : memref<64x200xi32, #tpu.memory_space<vmem>>, vector<16xi32>,
      %get3A_241 = arith.index_cast %scan3A_208 : i32 to index
      %get3A_242 = arith.constant 176 : index
      %get3A_243 = tpu.vector_load %arg7[%get3A_241, %get3A_242] {strides = array<i32>} : memref<64x200xi32, #tpu.memory_space<vmem>>, vector<16xi32>,
      %get3A_244 = arith.index_cast %scan3A_208 : i32 to index
      %get3A_245 = arith.constant 184 : index
      %get3A_246 = tpu.vector_load %arg7[%get3A_244, %get3A_245] {strides = array<i32>} : memref<64x200xi32, #tpu.memory_space<vmem>>, vector<16xi32>,
      %gather3A = tpu.vector_load_idx %arg5[%get3A_210] : memref<1000xf32, #tpu.memory_space<vmem>>[vector<16xi32>], vector<16xf32>,
      %gather3A_247 = tpu.vector_load_idx %arg5[%get3A_213] : memref<1000xf32, #tpu.memory_space<vmem>>[vector<16xi32>], vector<16xf32>,
      %gather3A_248 = tpu.vector_load_idx %arg5[%get3A_216] : memref<1000xf32, #tpu.memory_space<vmem>>[vector<16xi32>], vector<16xf32>,
      %gather3A_249 = tpu.vector_load_idx %arg5[%get3A_219] : memref<1000xf32, #tpu.memory_space<vmem>>[vector<16xi32>], vector<16xf32>,
      %gather3A_250 = tpu.vector_load_idx %arg5[%get3A_222] : memref<1000xf32, #tpu.memory_space<vmem>>[vector<16xi32>], vector<16xf32>,
      %gather3A_251 = tpu.vector_load_idx %arg5[%get3A_225] : memref<1000xf32, #tpu.memory_space<vmem>>[vector<16xi32>], vector<16xf32>,
      %gather3A_252 = tpu.vector_load_idx %arg5[%get3A_228] : memref<1000xf32, #tpu.memory_space<vmem>>[vector<16xi32>], vector<16xf32>,
      %gather3A_253 = tpu.vector_load_idx %arg5[%get3A_231] : memref<1000xf32, #tpu.memory_space<vmem>>[vector<16xi32>], vector<16xf32>,
      %gather3A_254 = tpu.vector_load_idx %arg5[%get3A_234] : memref<1000xf32, #tpu.memory_space<vmem>>[vector<16xi32>], vector<16xf32>,
      %gather3A_255 = tpu.vector_load_idx %arg5[%get3A_237] : memref<1000xf32, #tpu.memory_space<vmem>>[vector<16xi32>], vector<16xf32>,
      %gather3A_256 = tpu.vector_load_idx %arg5[%get3A_240] : memref<1000xf32, #tpu.memory_space<vmem>>[vector<16xi32>], vector<16xf32>,
      %gather3A_257 = tpu.vector_load_idx %arg5[%get3A_243] : memref<1000xf32, #tpu.memory_space<vmem>>[vector<16xi32>], vector<16xf32>,
      %gather3A_258 = tpu.vector_load_idx %arg5[%get3A_246] : memref<1000xf32, #tpu.memory_space<vmem>>[vector<16xi32>], vector<16xf32>,
      %swap3A = arith.index_cast %scan3A_208 : i32 to index
      %swap3A_259 = arith.constant 0 : index
      %swap3A_260 = tpu.vector_load %arg10[%swap3A, %swap3A_259] {strides = array<i32>} : memref<64x200xf32, #tpu.memory_space<vmem>>, vector<16xf32>,
      tpu.vector_store %arg10[%swap3A, %swap3A_259], %gather3A {strides = array<i32>} : memref<64x200xf32, #tpu.memory_space<vmem>>, vector<16xf32>,
      %swap3A_261 = arith.index_cast %scan3A_208 : i32 to index
      %swap3A_262 = arith.constant 16 : index
      %swap3A_263 = tpu.vector_load %arg10[%swap3A_261, %swap3A_262] {strides = array<i32>} : memref<64x200xf32, #tpu.memory_space<vmem>>, vector<16xf32>,
      tpu.vector_store %arg10[%swap3A_261, %swap3A_262], %gather3A_247 {strides = array<i32>} : memref<64x200xf32, #tpu.memory_space<vmem>>, vector<16xf32>,
      %swap3A_264 = arith.index_cast %scan3A_208 : i32 to index
      %swap3A_265 = arith.constant 32 : index
      %swap3A_266 = tpu.vector_load %arg10[%swap3A_264, %swap3A_265] {strides = array<i32>} : memref<64x200xf32, #tpu.memory_space<vmem>>, vector<16xf32>,
      tpu.vector_store %arg10[%swap3A_264, %swap3A_265], %gather3A_248 {strides = array<i32>} : memref<64x200xf32, #tpu.memory_space<vmem>>, vector<16xf32>,
      %swap3A_267 = arith.index_cast %scan3A_208 : i32 to index
      %swap3A_268 = arith.constant 48 : index
      %swap3A_269 = tpu.vector_load %arg10[%swap3A_267, %swap3A_268] {strides = array<i32>} : memref<64x200xf32, #tpu.memory_space<vmem>>, vector<16xf32>,
      tpu.vector_store %arg10[%swap3A_267, %swap3A_268], %gather3A_249 {strides = array<i32>} : memref<64x200xf32, #tpu.memory_space<vmem>>, vector<16xf32>,
      %swap3A_270 = arith.index_cast %scan3A_208 : i32 to index
      %swap3A_271 = arith.constant 64 : index
      %swap3A_272 = tpu.vector_load %arg10[%swap3A_270, %swap3A_271] {strides = array<i32>} : memref<64x200xf32, #tpu.memory_space<vmem>>, vector<16xf32>,
      tpu.vector_store %arg10[%swap3A_270, %swap3A_271], %gather3A_250 {strides = array<i32>} : memref<64x200xf32, #tpu.memory_space<vmem>>, vector<16xf32>,
      %swap3A_273 = arith.index_cast %scan3A_208 : i32 to index
      %swap3A_274 = arith.constant 80 : index
      %swap3A_275 = tpu.vector_load %arg10[%swap3A_273, %swap3A_274] {strides = array<i32>} : memref<64x200xf32, #tpu.memory_space<vmem>>, vector<16xf32>,
      tpu.vector_store %arg10[%swap3A_273, %swap3A_274], %gather3A_251 {strides = array<i32>} : memref<64x200xf32, #tpu.memory_space<vmem>>, vector<16xf32>,
      %swap3A_276 = arith.index_cast %scan3A_208 : i32 to index
      %swap3A_277 = arith.constant 96 : index
      %swap3A_278 = tpu.vector_load %arg10[%swap3A_276, %swap3A_277] {strides = array<i32>} : memref<64x200xf32, #tpu.memory_space<vmem>>, vector<16xf32>,
      tpu.vector_store %arg10[%swap3A_276, %swap3A_277], %gather3A_252 {strides = array<i32>} : memref<64x200xf32, #tpu.memory_space<vmem>>, vector<16xf32>,
      %swap3A_279 = arith.index_cast %scan3A_208 : i32 to index
      %swap3A_280 = arith.constant 112 : index
      %swap3A_281 = tpu.vector_load %arg10[%swap3A_279, %swap3A_280] {strides = array<i32>} : memref<64x200xf32, #tpu.memory_space<vmem>>, vector<16xf32>,
      tpu.vector_store %arg10[%swap3A_279, %swap3A_280], %gather3A_253 {strides = array<i32>} : memref<64x200xf32, #tpu.memory_space<vmem>>, vector<16xf32>,
      %swap3A_282 = arith.index_cast %scan3A_208 : i32 to index
      %swap3A_283 = arith.constant 128 : index
      %swap3A_284 = tpu.vector_load %arg10[%swap3A_282, %swap3A_283] {strides = array<i32>} : memref<64x200xf32, #tpu.memory_space<vmem>>, vector<16xf32>,
      tpu.vector_store %arg10[%swap3A_282, %swap3A_283], %gather3A_254 {strides = array<i32>} : memref<64x200xf32, #tpu.memory_space<vmem>>, vector<16xf32>,
      %swap3A_285 = arith.index_cast %scan3A_208 : i32 to index
      %swap3A_286 = arith.constant 144 : index
      %swap3A_287 = tpu.vector_load %arg10[%swap3A_285, %swap3A_286] {strides = array<i32>} : memref<64x200xf32, #tpu.memory_space<vmem>>, vector<16xf32>,
      tpu.vector_store %arg10[%swap3A_285, %swap3A_286], %gather3A_255 {strides = array<i32>} : memref<64x200xf32, #tpu.memory_space<vmem>>, vector<16xf32>,
      %swap3A_288 = arith.index_cast %scan3A_208 : i32 to index
      %swap3A_289 = arith.constant 160 : index
      %swap3A_290 = tpu.vector_load %arg10[%swap3A_288, %swap3A_289] {strides = array<i32>} : memref<64x200xf32, #tpu.memory_space<vmem>>, vector<16xf32>,
      tpu.vector_store %arg10[%swap3A_288, %swap3A_289], %gather3A_256 {strides = array<i32>} : memref<64x200xf32, #tpu.memory_space<vmem>>, vector<16xf32>,
      %swap3A_291 = arith.index_cast %scan3A_208 : i32 to index
      %swap3A_292 = arith.constant 176 : index
      %swap3A_293 = tpu.vector_load %arg10[%swap3A_291, %swap3A_292] {strides = array<i32>} : memref<64x200xf32, #tpu.memory_space<vmem>>, vector<16xf32>,
      tpu.vector_store %arg10[%swap3A_291, %swap3A_292], %gather3A_257 {strides = array<i32>} : memref<64x200xf32, #tpu.memory_space<vmem>>, vector<16xf32>,
      %swap3A_294 = arith.index_cast %scan3A_208 : i32 to index
      %swap3A_295 = arith.constant 184 : index
      %swap3A_296 = tpu.vector_load %arg10[%swap3A_294, %swap3A_295] {strides = array<i32>} : memref<64x200xf32, #tpu.memory_space<vmem>>, vector<16xf32>,
      tpu.vector_store %arg10[%swap3A_294, %swap3A_295], %gather3A_258 {strides = array<i32>} : memref<64x200xf32, #tpu.memory_space<vmem>>, vector<16xf32>,
    }
    %scan3A_123 = arith.constant 64 : i32
    %add3A_124 = arith.constant 256 : i32
    %add3A_125 = arith.addi %mul3A_2, %add3A_124 : i32
    %dma_start3A_126 = arith.constant 0 : i32
    %dma_start3A_127 = tpu.memref_slice %arg4[%add3A_125, %dma_start3A_126] : memref<16384x200xf32, #tpu.memory_space<hbm>> -> memref<64x200xf32, #tpu.memory_space<hbm>>
    %dma_start3A_128 = arith.constant 0 : i32
    %dma_start3A_129 = tpu.memref_slice %arg4[%add3A_125, %dma_start3A_128] : memref<16384x200xf32, #tpu.memory_space<hbm>> -> memref<64x200xf32, #tpu.memory_space<hbm>>
    tpu.enqueue_dma source(%arg10 : memref<64x200xf32, #tpu.memory_space<vmem>>) target(%dma_start3A_129 : memref<64x200xf32, #tpu.memory_space<hbm>>) target_semaphore(%arg16 : memref<!tpu.dma_semaphore, #tpu.memory_space<semaphore_mem>>)
    %add3A_130 = arith.constant 448 : i32
    %add3A_131 = arith.addi %mul3A_2, %add3A_130 : i32
    %dma_start3A_132 = arith.constant 0 : i32
    %dma_start3A_133 = tpu.memref_slice %arg3[%add3A_131, %dma_start3A_132] : memref<16384x200xi32, #tpu.memory_space<hbm>> -> memref<64x200xi32, #tpu.memory_space<hbm>>
    %dma_start3A_134 = arith.constant 0 : i32
    %dma_start3A_135 = tpu.memref_slice %arg3[%add3A_131, %dma_start3A_134] : memref<16384x200xi32, #tpu.memory_space<hbm>> -> memref<64x200xi32, #tpu.memory_space<hbm>>
    tpu.enqueue_dma source(%dma_start3A_135 : memref<64x200xi32, #tpu.memory_space<hbm>>) target(%arg7 : memref<64x200xi32, #tpu.memory_space<vmem>>) target_semaphore(%arg13 : memref<!tpu.dma_semaphore, #tpu.memory_space<semaphore_mem>>)
    %dma_wait3A_136 = arith.constant 0 : i32
    %dma_wait3A_137 = tpu.memref_slice %arg3[%add3A_79, %dma_wait3A_136] : memref<16384x200xi32, #tpu.memory_space<hbm>> -> memref<64x200xi32, #tpu.memory_space<hbm>>
    %dma_wait3A_138 = arith.constant 0 : i32
    %dma_wait3A_139 = tpu.memref_slice %arg3[%add3A_79, %dma_wait3A_138] : memref<16384x200xi32, #tpu.memory_space<hbm>> -> memref<64x200xi32, #tpu.memory_space<hbm>>
    tpu.wait_dma2 semaphore(%arg14 : memref<!tpu.dma_semaphore, #tpu.memory_space<semaphore_mem>>) src(%dma_wait3A_139 : memref<64x200xi32, #tpu.memory_space<hbm>>) dst(%arg8 : memref<64x200xi32, #tpu.memory_space<vmem>>)
    %dma_wait3A_140 = arith.constant 0 : i32
    %dma_wait3A_141 = tpu.memref_slice %arg4[%add3A_73, %dma_wait3A_140] : memref<16384x200xf32, #tpu.memory_space<hbm>> -> memref<64x200xf32, #tpu.memory_space<hbm>>
    %dma_wait3A_142 = arith.constant 0 : i32
    %dma_wait3A_143 = tpu.memref_slice %arg4[%add3A_73, %dma_wait3A_142] : memref<16384x200xf32, #tpu.memory_space<hbm>> -> memref<64x200xf32, #tpu.memory_space<hbm>>
    tpu.wait_dma2 semaphore(%arg17 : memref<!tpu.dma_semaphore, #tpu.memory_space<semaphore_mem>>) src(%arg11 : memref<64x200xf32, #tpu.memory_space<vmem>>) dst(%dma_wait3A_143 : memref<64x200xf32, #tpu.memory_space<hbm>>)
    %scan3A_144 = arith.constant 0 : i32
    %scan3A_145 = arith.constant 0 : i32
    %scan3A_146 = arith.constant 64 : i32
    %scan3A_147 = arith.addi %scan3A_145, %scan3A_146 : i32
    %scan3A_148 = arith.constant 1 : i32
    scf.for %scan3A_208 = %scan3A_145 to %scan3A_147 step %scan3A_148  : i32 {
      %get3A = arith.index_cast %scan3A_208 : i32 to index
      %get3A_209 = arith.constant 0 : index
      %get3A_210 = tpu.vector_load %arg8[%get3A, %get3A_209] {strides = array<i32>} : memref<64x200xi32, #tpu.memory_space<vmem>>, vector<16xi32>,
      %get3A_211 = arith.index_cast %scan3A_208 : i32 to index
      %get3A_212 = arith.constant 16 : index
      %get3A_213 = tpu.vector_load %arg8[%get3A_211, %get3A_212] {strides = array<i32>} : memref<64x200xi32, #tpu.memory_space<vmem>>, vector<16xi32>,
      %get3A_214 = arith.index_cast %scan3A_208 : i32 to index
      %get3A_215 = arith.constant 32 : index
      %get3A_216 = tpu.vector_load %arg8[%get3A_214, %get3A_215] {strides = array<i32>} : memref<64x200xi32, #tpu.memory_space<vmem>>, vector<16xi32>,
      %get3A_217 = arith.index_cast %scan3A_208 : i32 to index
      %get3A_218 = arith.constant 48 : index
      %get3A_219 = tpu.vector_load %arg8[%get3A_217, %get3A_218] {strides = array<i32>} : memref<64x200xi32, #tpu.memory_space<vmem>>, vector<16xi32>,
      %get3A_220 = arith.index_cast %scan3A_208 : i32 to index
      %get3A_221 = arith.constant 64 : index
      %get3A_222 = tpu.vector_load %arg8[%get3A_220, %get3A_221] {strides = array<i32>} : memref<64x200xi32, #tpu.memory_space<vmem>>, vector<16xi32>,
      %get3A_223 = arith.index_cast %scan3A_208 : i32 to index
      %get3A_224 = arith.constant 80 : index
      %get3A_225 = tpu.vector_load %arg8[%get3A_223, %get3A_224] {strides = array<i32>} : memref<64x200xi32, #tpu.memory_space<vmem>>, vector<16xi32>,
      %get3A_226 = arith.index_cast %scan3A_208 : i32 to index
      %get3A_227 = arith.constant 96 : index
      %get3A_228 = tpu.vector_load %arg8[%get3A_226, %get3A_227] {strides = array<i32>} : memref<64x200xi32, #tpu.memory_space<vmem>>, vector<16xi32>,
      %get3A_229 = arith.index_cast %scan3A_208 : i32 to index
      %get3A_230 = arith.constant 112 : index
      %get3A_231 = tpu.vector_load %arg8[%get3A_229, %get3A_230] {strides = array<i32>} : memref<64x200xi32, #tpu.memory_space<vmem>>, vector<16xi32>,
      %get3A_232 = arith.index_cast %scan3A_208 : i32 to index
      %get3A_233 = arith.constant 128 : index
      %get3A_234 = tpu.vector_load %arg8[%get3A_232, %get3A_233] {strides = array<i32>} : memref<64x200xi32, #tpu.memory_space<vmem>>, vector<16xi32>,
      %get3A_235 = arith.index_cast %scan3A_208 : i32 to index
      %get3A_236 = arith.constant 144 : index
      %get3A_237 = tpu.vector_load %arg8[%get3A_235, %get3A_236] {strides = array<i32>} : memref<64x200xi32, #tpu.memory_space<vmem>>, vector<16xi32>,
      %get3A_238 = arith.index_cast %scan3A_208 : i32 to index
      %get3A_239 = arith.constant 160 : index
      %get3A_240 = tpu.vector_load %arg8[%get3A_238, %get3A_239] {strides = array<i32>} : memref<64x200xi32, #tpu.memory_space<vmem>>, vector<16xi32>,
      %get3A_241 = arith.index_cast %scan3A_208 : i32 to index
      %get3A_242 = arith.constant 176 : index
      %get3A_243 = tpu.vector_load %arg8[%get3A_241, %get3A_242] {strides = array<i32>} : memref<64x200xi32, #tpu.memory_space<vmem>>, vector<16xi32>,
      %get3A_244 = arith.index_cast %scan3A_208 : i32 to index
      %get3A_245 = arith.constant 184 : index
      %get3A_246 = tpu.vector_load %arg8[%get3A_244, %get3A_245] {strides = array<i32>} : memref<64x200xi32, #tpu.memory_space<vmem>>, vector<16xi32>,
      %gather3A = tpu.vector_load_idx %arg5[%get3A_210] : memref<1000xf32, #tpu.memory_space<vmem>>[vector<16xi32>], vector<16xf32>,
      %gather3A_247 = tpu.vector_load_idx %arg5[%get3A_213] : memref<1000xf32, #tpu.memory_space<vmem>>[vector<16xi32>], vector<16xf32>,
      %gather3A_248 = tpu.vector_load_idx %arg5[%get3A_216] : memref<1000xf32, #tpu.memory_space<vmem>>[vector<16xi32>], vector<16xf32>,
      %gather3A_249 = tpu.vector_load_idx %arg5[%get3A_219] : memref<1000xf32, #tpu.memory_space<vmem>>[vector<16xi32>], vector<16xf32>,
      %gather3A_250 = tpu.vector_load_idx %arg5[%get3A_222] : memref<1000xf32, #tpu.memory_space<vmem>>[vector<16xi32>], vector<16xf32>,
      %gather3A_251 = tpu.vector_load_idx %arg5[%get3A_225] : memref<1000xf32, #tpu.memory_space<vmem>>[vector<16xi32>], vector<16xf32>,
      %gather3A_252 = tpu.vector_load_idx %arg5[%get3A_228] : memref<1000xf32, #tpu.memory_space<vmem>>[vector<16xi32>], vector<16xf32>,
      %gather3A_253 = tpu.vector_load_idx %arg5[%get3A_231] : memref<1000xf32, #tpu.memory_space<vmem>>[vector<16xi32>], vector<16xf32>,
      %gather3A_254 = tpu.vector_load_idx %arg5[%get3A_234] : memref<1000xf32, #tpu.memory_space<vmem>>[vector<16xi32>], vector<16xf32>,
      %gather3A_255 = tpu.vector_load_idx %arg5[%get3A_237] : memref<1000xf32, #tpu.memory_space<vmem>>[vector<16xi32>], vector<16xf32>,
      %gather3A_256 = tpu.vector_load_idx %arg5[%get3A_240] : memref<1000xf32, #tpu.memory_space<vmem>>[vector<16xi32>], vector<16xf32>,
      %gather3A_257 = tpu.vector_load_idx %arg5[%get3A_243] : memref<1000xf32, #tpu.memory_space<vmem>>[vector<16xi32>], vector<16xf32>,
      %gather3A_258 = tpu.vector_load_idx %arg5[%get3A_246] : memref<1000xf32, #tpu.memory_space<vmem>>[vector<16xi32>], vector<16xf32>,
      %swap3A = arith.index_cast %scan3A_208 : i32 to index
      %swap3A_259 = arith.constant 0 : index
      %swap3A_260 = tpu.vector_load %arg11[%swap3A, %swap3A_259] {strides = array<i32>} : memref<64x200xf32, #tpu.memory_space<vmem>>, vector<16xf32>,
      tpu.vector_store %arg11[%swap3A, %swap3A_259], %gather3A {strides = array<i32>} : memref<64x200xf32, #tpu.memory_space<vmem>>, vector<16xf32>,
      %swap3A_261 = arith.index_cast %scan3A_208 : i32 to index
      %swap3A_262 = arith.constant 16 : index
      %swap3A_263 = tpu.vector_load %arg11[%swap3A_261, %swap3A_262] {strides = array<i32>} : memref<64x200xf32, #tpu.memory_space<vmem>>, vector<16xf32>,
      tpu.vector_store %arg11[%swap3A_261, %swap3A_262], %gather3A_247 {strides = array<i32>} : memref<64x200xf32, #tpu.memory_space<vmem>>, vector<16xf32>,
      %swap3A_264 = arith.index_cast %scan3A_208 : i32 to index
      %swap3A_265 = arith.constant 32 : index
      %swap3A_266 = tpu.vector_load %arg11[%swap3A_264, %swap3A_265] {strides = array<i32>} : memref<64x200xf32, #tpu.memory_space<vmem>>, vector<16xf32>,
      tpu.vector_store %arg11[%swap3A_264, %swap3A_265], %gather3A_248 {strides = array<i32>} : memref<64x200xf32, #tpu.memory_space<vmem>>, vector<16xf32>,
      %swap3A_267 = arith.index_cast %scan3A_208 : i32 to index
      %swap3A_268 = arith.constant 48 : index
      %swap3A_269 = tpu.vector_load %arg11[%swap3A_267, %swap3A_268] {strides = array<i32>} : memref<64x200xf32, #tpu.memory_space<vmem>>, vector<16xf32>,
      tpu.vector_store %arg11[%swap3A_267, %swap3A_268], %gather3A_249 {strides = array<i32>} : memref<64x200xf32, #tpu.memory_space<vmem>>, vector<16xf32>,
      %swap3A_270 = arith.index_cast %scan3A_208 : i32 to index
      %swap3A_271 = arith.constant 64 : index
      %swap3A_272 = tpu.vector_load %arg11[%swap3A_270, %swap3A_271] {strides = array<i32>} : memref<64x200xf32, #tpu.memory_space<vmem>>, vector<16xf32>,
      tpu.vector_store %arg11[%swap3A_270, %swap3A_271], %gather3A_250 {strides = array<i32>} : memref<64x200xf32, #tpu.memory_space<vmem>>, vector<16xf32>,
      %swap3A_273 = arith.index_cast %scan3A_208 : i32 to index
      %swap3A_274 = arith.constant 80 : index
      %swap3A_275 = tpu.vector_load %arg11[%swap3A_273, %swap3A_274] {strides = array<i32>} : memref<64x200xf32, #tpu.memory_space<vmem>>, vector<16xf32>,
      tpu.vector_store %arg11[%swap3A_273, %swap3A_274], %gather3A_251 {strides = array<i32>} : memref<64x200xf32, #tpu.memory_space<vmem>>, vector<16xf32>,
      %swap3A_276 = arith.index_cast %scan3A_208 : i32 to index
      %swap3A_277 = arith.constant 96 : index
      %swap3A_278 = tpu.vector_load %arg11[%swap3A_276, %swap3A_277] {strides = array<i32>} : memref<64x200xf32, #tpu.memory_space<vmem>>, vector<16xf32>,
      tpu.vector_store %arg11[%swap3A_276, %swap3A_277], %gather3A_252 {strides = array<i32>} : memref<64x200xf32, #tpu.memory_space<vmem>>, vector<16xf32>,
      %swap3A_279 = arith.index_cast %scan3A_208 : i32 to index
      %swap3A_280 = arith.constant 112 : index
      %swap3A_281 = tpu.vector_load %arg11[%swap3A_279, %swap3A_280] {strides = array<i32>} : memref<64x200xf32, #tpu.memory_space<vmem>>, vector<16xf32>,
      tpu.vector_store %arg11[%swap3A_279, %swap3A_280], %gather3A_253 {strides = array<i32>} : memref<64x200xf32, #tpu.memory_space<vmem>>, vector<16xf32>,
      %swap3A_282 = arith.index_cast %scan3A_208 : i32 to index
      %swap3A_283 = arith.constant 128 : index
      %swap3A_284 = tpu.vector_load %arg11[%swap3A_282, %swap3A_283] {strides = array<i32>} : memref<64x200xf32, #tpu.memory_space<vmem>>, vector<16xf32>,
      tpu.vector_store %arg11[%swap3A_282, %swap3A_283], %gather3A_254 {strides = array<i32>} : memref<64x200xf32, #tpu.memory_space<vmem>>, vector<16xf32>,
      %swap3A_285 = arith.index_cast %scan3A_208 : i32 to index
      %swap3A_286 = arith.constant 144 : index
      %swap3A_287 = tpu.vector_load %arg11[%swap3A_285, %swap3A_286] {strides = array<i32>} : memref<64x200xf32, #tpu.memory_space<vmem>>, vector<16xf32>,
      tpu.vector_store %arg11[%swap3A_285, %swap3A_286], %gather3A_255 {strides = array<i32>} : memref<64x200xf32, #tpu.memory_space<vmem>>, vector<16xf32>,
      %swap3A_288 = arith.index_cast %scan3A_208 : i32 to index
      %swap3A_289 = arith.constant 160 : index
      %swap3A_290 = tpu.vector_load %arg11[%swap3A_288, %swap3A_289] {strides = array<i32>} : memref<64x200xf32, #tpu.memory_space<vmem>>, vector<16xf32>,
      tpu.vector_store %arg11[%swap3A_288, %swap3A_289], %gather3A_256 {strides = array<i32>} : memref<64x200xf32, #tpu.memory_space<vmem>>, vector<16xf32>,
      %swap3A_291 = arith.index_cast %scan3A_208 : i32 to index
      %swap3A_292 = arith.constant 176 : index
      %swap3A_293 = tpu.vector_load %arg11[%swap3A_291, %swap3A_292] {strides = array<i32>} : memref<64x200xf32, #tpu.memory_space<vmem>>, vector<16xf32>,
      tpu.vector_store %arg11[%swap3A_291, %swap3A_292], %gather3A_257 {strides = array<i32>} : memref<64x200xf32, #tpu.memory_space<vmem>>, vector<16xf32>,
      %swap3A_294 = arith.index_cast %scan3A_208 : i32 to index
      %swap3A_295 = arith.constant 184 : index
      %swap3A_296 = tpu.vector_load %arg11[%swap3A_294, %swap3A_295] {strides = array<i32>} : memref<64x200xf32, #tpu.memory_space<vmem>>, vector<16xf32>,
      tpu.vector_store %arg11[%swap3A_294, %swap3A_295], %gather3A_258 {strides = array<i32>} : memref<64x200xf32, #tpu.memory_space<vmem>>, vector<16xf32>,
    }
    %scan3A_149 = arith.constant 64 : i32
    %add3A_150 = arith.constant 320 : i32
    %add3A_151 = arith.addi %mul3A_2, %add3A_150 : i32
    %dma_start3A_152 = arith.constant 0 : i32
    %dma_start3A_153 = tpu.memref_slice %arg4[%add3A_151, %dma_start3A_152] : memref<16384x200xf32, #tpu.memory_space<hbm>> -> memref<64x200xf32, #tpu.memory_space<hbm>>
    %dma_start3A_154 = arith.constant 0 : i32
    %dma_start3A_155 = tpu.memref_slice %arg4[%add3A_151, %dma_start3A_154] : memref<16384x200xf32, #tpu.memory_space<hbm>> -> memref<64x200xf32, #tpu.memory_space<hbm>>
    tpu.enqueue_dma source(%arg11 : memref<64x200xf32, #tpu.memory_space<vmem>>) target(%dma_start3A_155 : memref<64x200xf32, #tpu.memory_space<hbm>>) target_semaphore(%arg17 : memref<!tpu.dma_semaphore, #tpu.memory_space<semaphore_mem>>)
    %dma_wait3A_156 = arith.constant 0 : i32
    %dma_wait3A_157 = tpu.memref_slice %arg3[%add3A_105, %dma_wait3A_156] : memref<16384x200xi32, #tpu.memory_space<hbm>> -> memref<64x200xi32, #tpu.memory_space<hbm>>
    %dma_wait3A_158 = arith.constant 0 : i32
    %dma_wait3A_159 = tpu.memref_slice %arg3[%add3A_105, %dma_wait3A_158] : memref<16384x200xi32, #tpu.memory_space<hbm>> -> memref<64x200xi32, #tpu.memory_space<hbm>>
    tpu.wait_dma2 semaphore(%arg12 : memref<!tpu.dma_semaphore, #tpu.memory_space<semaphore_mem>>) src(%dma_wait3A_159 : memref<64x200xi32, #tpu.memory_space<hbm>>) dst(%arg6 : memref<64x200xi32, #tpu.memory_space<vmem>>)
    %dma_wait3A_160 = arith.constant 0 : i32
    %dma_wait3A_161 = tpu.memref_slice %arg4[%add3A_99, %dma_wait3A_160] : memref<16384x200xf32, #tpu.memory_space<hbm>> -> memref<64x200xf32, #tpu.memory_space<hbm>>
    %dma_wait3A_162 = arith.constant 0 : i32
    %dma_wait3A_163 = tpu.memref_slice %arg4[%add3A_99, %dma_wait3A_162] : memref<16384x200xf32, #tpu.memory_space<hbm>> -> memref<64x200xf32, #tpu.memory_space<hbm>>
    tpu.wait_dma2 semaphore(%arg15 : memref<!tpu.dma_semaphore, #tpu.memory_space<semaphore_mem>>) src(%arg9 : memref<64x200xf32, #tpu.memory_space<vmem>>) dst(%dma_wait3A_163 : memref<64x200xf32, #tpu.memory_space<hbm>>)
    %scan3A_164 = arith.constant 0 : i32
    %scan3A_165 = arith.constant 0 : i32
    %scan3A_166 = arith.constant 64 : i32
    %scan3A_167 = arith.addi %scan3A_165, %scan3A_166 : i32
    %scan3A_168 = arith.constant 1 : i32
    scf.for %scan3A_208 = %scan3A_165 to %scan3A_167 step %scan3A_168  : i32 {
      %get3A = arith.index_cast %scan3A_208 : i32 to index
      %get3A_209 = arith.constant 0 : index
      %get3A_210 = tpu.vector_load %arg6[%get3A, %get3A_209] {strides = array<i32>} : memref<64x200xi32, #tpu.memory_space<vmem>>, vector<16xi32>,
      %get3A_211 = arith.index_cast %scan3A_208 : i32 to index
      %get3A_212 = arith.constant 16 : index
      %get3A_213 = tpu.vector_load %arg6[%get3A_211, %get3A_212] {strides = array<i32>} : memref<64x200xi32, #tpu.memory_space<vmem>>, vector<16xi32>,
      %get3A_214 = arith.index_cast %scan3A_208 : i32 to index
      %get3A_215 = arith.constant 32 : index
      %get3A_216 = tpu.vector_load %arg6[%get3A_214, %get3A_215] {strides = array<i32>} : memref<64x200xi32, #tpu.memory_space<vmem>>, vector<16xi32>,
      %get3A_217 = arith.index_cast %scan3A_208 : i32 to index
      %get3A_218 = arith.constant 48 : index
      %get3A_219 = tpu.vector_load %arg6[%get3A_217, %get3A_218] {strides = array<i32>} : memref<64x200xi32, #tpu.memory_space<vmem>>, vector<16xi32>,
      %get3A_220 = arith.index_cast %scan3A_208 : i32 to index
      %get3A_221 = arith.constant 64 : index
      %get3A_222 = tpu.vector_load %arg6[%get3A_220, %get3A_221] {strides = array<i32>} : memref<64x200xi32, #tpu.memory_space<vmem>>, vector<16xi32>,
      %get3A_223 = arith.index_cast %scan3A_208 : i32 to index
      %get3A_224 = arith.constant 80 : index
      %get3A_225 = tpu.vector_load %arg6[%get3A_223, %get3A_224] {strides = array<i32>} : memref<64x200xi32, #tpu.memory_space<vmem>>, vector<16xi32>,
      %get3A_226 = arith.index_cast %scan3A_208 : i32 to index
      %get3A_227 = arith.constant 96 : index
      %get3A_228 = tpu.vector_load %arg6[%get3A_226, %get3A_227] {strides = array<i32>} : memref<64x200xi32, #tpu.memory_space<vmem>>, vector<16xi32>,
      %get3A_229 = arith.index_cast %scan3A_208 : i32 to index
      %get3A_230 = arith.constant 112 : index
      %get3A_231 = tpu.vector_load %arg6[%get3A_229, %get3A_230] {strides = array<i32>} : memref<64x200xi32, #tpu.memory_space<vmem>>, vector<16xi32>,
      %get3A_232 = arith.index_cast %scan3A_208 : i32 to index
      %get3A_233 = arith.constant 128 : index
      %get3A_234 = tpu.vector_load %arg6[%get3A_232, %get3A_233] {strides = array<i32>} : memref<64x200xi32, #tpu.memory_space<vmem>>, vector<16xi32>,
      %get3A_235 = arith.index_cast %scan3A_208 : i32 to index
      %get3A_236 = arith.constant 144 : index
      %get3A_237 = tpu.vector_load %arg6[%get3A_235, %get3A_236] {strides = array<i32>} : memref<64x200xi32, #tpu.memory_space<vmem>>, vector<16xi32>,
      %get3A_238 = arith.index_cast %scan3A_208 : i32 to index
      %get3A_239 = arith.constant 160 : index
      %get3A_240 = tpu.vector_load %arg6[%get3A_238, %get3A_239] {strides = array<i32>} : memref<64x200xi32, #tpu.memory_space<vmem>>, vector<16xi32>,
      %get3A_241 = arith.index_cast %scan3A_208 : i32 to index
      %get3A_242 = arith.constant 176 : index
      %get3A_243 = tpu.vector_load %arg6[%get3A_241, %get3A_242] {strides = array<i32>} : memref<64x200xi32, #tpu.memory_space<vmem>>, vector<16xi32>,
      %get3A_244 = arith.index_cast %scan3A_208 : i32 to index
      %get3A_245 = arith.constant 184 : index
      %get3A_246 = tpu.vector_load %arg6[%get3A_244, %get3A_245] {strides = array<i32>} : memref<64x200xi32, #tpu.memory_space<vmem>>, vector<16xi32>,
      %gather3A = tpu.vector_load_idx %arg5[%get3A_210] : memref<1000xf32, #tpu.memory_space<vmem>>[vector<16xi32>], vector<16xf32>,
      %gather3A_247 = tpu.vector_load_idx %arg5[%get3A_213] : memref<1000xf32, #tpu.memory_space<vmem>>[vector<16xi32>], vector<16xf32>,
      %gather3A_248 = tpu.vector_load_idx %arg5[%get3A_216] : memref<1000xf32, #tpu.memory_space<vmem>>[vector<16xi32>], vector<16xf32>,
      %gather3A_249 = tpu.vector_load_idx %arg5[%get3A_219] : memref<1000xf32, #tpu.memory_space<vmem>>[vector<16xi32>], vector<16xf32>,
      %gather3A_250 = tpu.vector_load_idx %arg5[%get3A_222] : memref<1000xf32, #tpu.memory_space<vmem>>[vector<16xi32>], vector<16xf32>,
      %gather3A_251 = tpu.vector_load_idx %arg5[%get3A_225] : memref<1000xf32, #tpu.memory_space<vmem>>[vector<16xi32>], vector<16xf32>,
      %gather3A_252 = tpu.vector_load_idx %arg5[%get3A_228] : memref<1000xf32, #tpu.memory_space<vmem>>[vector<16xi32>], vector<16xf32>,
      %gather3A_253 = tpu.vector_load_idx %arg5[%get3A_231] : memref<1000xf32, #tpu.memory_space<vmem>>[vector<16xi32>], vector<16xf32>,
      %gather3A_254 = tpu.vector_load_idx %arg5[%get3A_234] : memref<1000xf32, #tpu.memory_space<vmem>>[vector<16xi32>], vector<16xf32>,
      %gather3A_255 = tpu.vector_load_idx %arg5[%get3A_237] : memref<1000xf32, #tpu.memory_space<vmem>>[vector<16xi32>], vector<16xf32>,
      %gather3A_256 = tpu.vector_load_idx %arg5[%get3A_240] : memref<1000xf32, #tpu.memory_space<vmem>>[vector<16xi32>], vector<16xf32>,
      %gather3A_257 = tpu.vector_load_idx %arg5[%get3A_243] : memref<1000xf32, #tpu.memory_space<vmem>>[vector<16xi32>], vector<16xf32>,
      %gather3A_258 = tpu.vector_load_idx %arg5[%get3A_246] : memref<1000xf32, #tpu.memory_space<vmem>>[vector<16xi32>], vector<16xf32>,
      %swap3A = arith.index_cast %scan3A_208 : i32 to index
      %swap3A_259 = arith.constant 0 : index
      %swap3A_260 = tpu.vector_load %arg9[%swap3A, %swap3A_259] {strides = array<i32>} : memref<64x200xf32, #tpu.memory_space<vmem>>, vector<16xf32>,
      tpu.vector_store %arg9[%swap3A, %swap3A_259], %gather3A {strides = array<i32>} : memref<64x200xf32, #tpu.memory_space<vmem>>, vector<16xf32>,
      %swap3A_261 = arith.index_cast %scan3A_208 : i32 to index
      %swap3A_262 = arith.constant 16 : index
      %swap3A_263 = tpu.vector_load %arg9[%swap3A_261, %swap3A_262] {strides = array<i32>} : memref<64x200xf32, #tpu.memory_space<vmem>>, vector<16xf32>,
      tpu.vector_store %arg9[%swap3A_261, %swap3A_262], %gather3A_247 {strides = array<i32>} : memref<64x200xf32, #tpu.memory_space<vmem>>, vector<16xf32>,
      %swap3A_264 = arith.index_cast %scan3A_208 : i32 to index
      %swap3A_265 = arith.constant 32 : index
      %swap3A_266 = tpu.vector_load %arg9[%swap3A_264, %swap3A_265] {strides = array<i32>} : memref<64x200xf32, #tpu.memory_space<vmem>>, vector<16xf32>,
      tpu.vector_store %arg9[%swap3A_264, %swap3A_265], %gather3A_248 {strides = array<i32>} : memref<64x200xf32, #tpu.memory_space<vmem>>, vector<16xf32>,
      %swap3A_267 = arith.index_cast %scan3A_208 : i32 to index
      %swap3A_268 = arith.constant 48 : index
      %swap3A_269 = tpu.vector_load %arg9[%swap3A_267, %swap3A_268] {strides = array<i32>} : memref<64x200xf32, #tpu.memory_space<vmem>>, vector<16xf32>,
      tpu.vector_store %arg9[%swap3A_267, %swap3A_268], %gather3A_249 {strides = array<i32>} : memref<64x200xf32, #tpu.memory_space<vmem>>, vector<16xf32>,
      %swap3A_270 = arith.index_cast %scan3A_208 : i32 to index
      %swap3A_271 = arith.constant 64 : index
      %swap3A_272 = tpu.vector_load %arg9[%swap3A_270, %swap3A_271] {strides = array<i32>} : memref<64x200xf32, #tpu.memory_space<vmem>>, vector<16xf32>,
      tpu.vector_store %arg9[%swap3A_270, %swap3A_271], %gather3A_250 {strides = array<i32>} : memref<64x200xf32, #tpu.memory_space<vmem>>, vector<16xf32>,
      %swap3A_273 = arith.index_cast %scan3A_208 : i32 to index
      %swap3A_274 = arith.constant 80 : index
      %swap3A_275 = tpu.vector_load %arg9[%swap3A_273, %swap3A_274] {strides = array<i32>} : memref<64x200xf32, #tpu.memory_space<vmem>>, vector<16xf32>,
      tpu.vector_store %arg9[%swap3A_273, %swap3A_274], %gather3A_251 {strides = array<i32>} : memref<64x200xf32, #tpu.memory_space<vmem>>, vector<16xf32>,
      %swap3A_276 = arith.index_cast %scan3A_208 : i32 to index
      %swap3A_277 = arith.constant 96 : index
      %swap3A_278 = tpu.vector_load %arg9[%swap3A_276, %swap3A_277] {strides = array<i32>} : memref<64x200xf32, #tpu.memory_space<vmem>>, vector<16xf32>,
      tpu.vector_store %arg9[%swap3A_276, %swap3A_277], %gather3A_252 {strides = array<i32>} : memref<64x200xf32, #tpu.memory_space<vmem>>, vector<16xf32>,
      %swap3A_279 = arith.index_cast %scan3A_208 : i32 to index
      %swap3A_280 = arith.constant 112 : index
      %swap3A_281 = tpu.vector_load %arg9[%swap3A_279, %swap3A_280] {strides = array<i32>} : memref<64x200xf32, #tpu.memory_space<vmem>>, vector<16xf32>,
      tpu.vector_store %arg9[%swap3A_279, %swap3A_280], %gather3A_253 {strides = array<i32>} : memref<64x200xf32, #tpu.memory_space<vmem>>, vector<16xf32>,
      %swap3A_282 = arith.index_cast %scan3A_208 : i32 to index
      %swap3A_283 = arith.constant 128 : index
      %swap3A_284 = tpu.vector_load %arg9[%swap3A_282, %swap3A_283] {strides = array<i32>} : memref<64x200xf32, #tpu.memory_space<vmem>>, vector<16xf32>,
      tpu.vector_store %arg9[%swap3A_282, %swap3A_283], %gather3A_254 {strides = array<i32>} : memref<64x200xf32, #tpu.memory_space<vmem>>, vector<16xf32>,
      %swap3A_285 = arith.index_cast %scan3A_208 : i32 to index
      %swap3A_286 = arith.constant 144 : index
      %swap3A_287 = tpu.vector_load %arg9[%swap3A_285, %swap3A_286] {strides = array<i32>} : memref<64x200xf32, #tpu.memory_space<vmem>>, vector<16xf32>,
      tpu.vector_store %arg9[%swap3A_285, %swap3A_286], %gather3A_255 {strides = array<i32>} : memref<64x200xf32, #tpu.memory_space<vmem>>, vector<16xf32>,
      %swap3A_288 = arith.index_cast %scan3A_208 : i32 to index
      %swap3A_289 = arith.constant 160 : index
      %swap3A_290 = tpu.vector_load %arg9[%swap3A_288, %swap3A_289] {strides = array<i32>} : memref<64x200xf32, #tpu.memory_space<vmem>>, vector<16xf32>,
      tpu.vector_store %arg9[%swap3A_288, %swap3A_289], %gather3A_256 {strides = array<i32>} : memref<64x200xf32, #tpu.memory_space<vmem>>, vector<16xf32>,
      %swap3A_291 = arith.index_cast %scan3A_208 : i32 to index
      %swap3A_292 = arith.constant 176 : index
      %swap3A_293 = tpu.vector_load %arg9[%swap3A_291, %swap3A_292] {strides = array<i32>} : memref<64x200xf32, #tpu.memory_space<vmem>>, vector<16xf32>,
      tpu.vector_store %arg9[%swap3A_291, %swap3A_292], %gather3A_257 {strides = array<i32>} : memref<64x200xf32, #tpu.memory_space<vmem>>, vector<16xf32>,
      %swap3A_294 = arith.index_cast %scan3A_208 : i32 to index
      %swap3A_295 = arith.constant 184 : index
      %swap3A_296 = tpu.vector_load %arg9[%swap3A_294, %swap3A_295] {strides = array<i32>} : memref<64x200xf32, #tpu.memory_space<vmem>>, vector<16xf32>,
      tpu.vector_store %arg9[%swap3A_294, %swap3A_295], %gather3A_258 {strides = array<i32>} : memref<64x200xf32, #tpu.memory_space<vmem>>, vector<16xf32>,
    }
    %scan3A_169 = arith.constant 64 : i32
    %add3A_170 = arith.constant 384 : i32
    %add3A_171 = arith.addi %mul3A_2, %add3A_170 : i32
    %dma_start3A_172 = arith.constant 0 : i32
    %dma_start3A_173 = tpu.memref_slice %arg4[%add3A_171, %dma_start3A_172] : memref<16384x200xf32, #tpu.memory_space<hbm>> -> memref<64x200xf32, #tpu.memory_space<hbm>>
    %dma_start3A_174 = arith.constant 0 : i32
    %dma_start3A_175 = tpu.memref_slice %arg4[%add3A_171, %dma_start3A_174] : memref<16384x200xf32, #tpu.memory_space<hbm>> -> memref<64x200xf32, #tpu.memory_space<hbm>>
    tpu.enqueue_dma source(%arg9 : memref<64x200xf32, #tpu.memory_space<vmem>>) target(%dma_start3A_175 : memref<64x200xf32, #tpu.memory_space<hbm>>) target_semaphore(%arg15 : memref<!tpu.dma_semaphore, #tpu.memory_space<semaphore_mem>>)
    %dma_wait3A_176 = arith.constant 0 : i32
    %dma_wait3A_177 = tpu.memref_slice %arg3[%add3A_131, %dma_wait3A_176] : memref<16384x200xi32, #tpu.memory_space<hbm>> -> memref<64x200xi32, #tpu.memory_space<hbm>>
    %dma_wait3A_178 = arith.constant 0 : i32
    %dma_wait3A_179 = tpu.memref_slice %arg3[%add3A_131, %dma_wait3A_178] : memref<16384x200xi32, #tpu.memory_space<hbm>> -> memref<64x200xi32, #tpu.memory_space<hbm>>
    tpu.wait_dma2 semaphore(%arg13 : memref<!tpu.dma_semaphore, #tpu.memory_space<semaphore_mem>>) src(%dma_wait3A_179 : memref<64x200xi32, #tpu.memory_space<hbm>>) dst(%arg7 : memref<64x200xi32, #tpu.memory_space<vmem>>)
    %dma_wait3A_180 = arith.constant 0 : i32
    %dma_wait3A_181 = tpu.memref_slice %arg4[%add3A_125, %dma_wait3A_180] : memref<16384x200xf32, #tpu.memory_space<hbm>> -> memref<64x200xf32, #tpu.memory_space<hbm>>
    %dma_wait3A_182 = arith.constant 0 : i32
    %dma_wait3A_183 = tpu.memref_slice %arg4[%add3A_125, %dma_wait3A_182] : memref<16384x200xf32, #tpu.memory_space<hbm>> -> memref<64x200xf32, #tpu.memory_space<hbm>>
    tpu.wait_dma2 semaphore(%arg16 : memref<!tpu.dma_semaphore, #tpu.memory_space<semaphore_mem>>) src(%arg10 : memref<64x200xf32, #tpu.memory_space<vmem>>) dst(%dma_wait3A_183 : memref<64x200xf32, #tpu.memory_space<hbm>>)
    %scan3A_184 = arith.constant 0 : i32
    %scan3A_185 = arith.constant 0 : i32
    %scan3A_186 = arith.constant 64 : i32
    %scan3A_187 = arith.addi %scan3A_185, %scan3A_186 : i32
    %scan3A_188 = arith.constant 1 : i32
    scf.for %scan3A_208 = %scan3A_185 to %scan3A_187 step %scan3A_188  : i32 {
      %get3A = arith.index_cast %scan3A_208 : i32 to index
      %get3A_209 = arith.constant 0 : index
      %get3A_210 = tpu.vector_load %arg7[%get3A, %get3A_209] {strides = array<i32>} : memref<64x200xi32, #tpu.memory_space<vmem>>, vector<16xi32>,
      %get3A_211 = arith.index_cast %scan3A_208 : i32 to index
      %get3A_212 = arith.constant 16 : index
      %get3A_213 = tpu.vector_load %arg7[%get3A_211, %get3A_212] {strides = array<i32>} : memref<64x200xi32, #tpu.memory_space<vmem>>, vector<16xi32>,
      %get3A_214 = arith.index_cast %scan3A_208 : i32 to index
      %get3A_215 = arith.constant 32 : index
      %get3A_216 = tpu.vector_load %arg7[%get3A_214, %get3A_215] {strides = array<i32>} : memref<64x200xi32, #tpu.memory_space<vmem>>, vector<16xi32>,
      %get3A_217 = arith.index_cast %scan3A_208 : i32 to index
      %get3A_218 = arith.constant 48 : index
      %get3A_219 = tpu.vector_load %arg7[%get3A_217, %get3A_218] {strides = array<i32>} : memref<64x200xi32, #tpu.memory_space<vmem>>, vector<16xi32>,
      %get3A_220 = arith.index_cast %scan3A_208 : i32 to index
      %get3A_221 = arith.constant 64 : index
      %get3A_222 = tpu.vector_load %arg7[%get3A_220, %get3A_221] {strides = array<i32>} : memref<64x200xi32, #tpu.memory_space<vmem>>, vector<16xi32>,
      %get3A_223 = arith.index_cast %scan3A_208 : i32 to index
      %get3A_224 = arith.constant 80 : index
      %get3A_225 = tpu.vector_load %arg7[%get3A_223, %get3A_224] {strides = array<i32>} : memref<64x200xi32, #tpu.memory_space<vmem>>, vector<16xi32>,
      %get3A_226 = arith.index_cast %scan3A_208 : i32 to index
      %get3A_227 = arith.constant 96 : index
      %get3A_228 = tpu.vector_load %arg7[%get3A_226, %get3A_227] {strides = array<i32>} : memref<64x200xi32, #tpu.memory_space<vmem>>, vector<16xi32>,
      %get3A_229 = arith.index_cast %scan3A_208 : i32 to index
      %get3A_230 = arith.constant 112 : index
      %get3A_231 = tpu.vector_load %arg7[%get3A_229, %get3A_230] {strides = array<i32>} : memref<64x200xi32, #tpu.memory_space<vmem>>, vector<16xi32>,
      %get3A_232 = arith.index_cast %scan3A_208 : i32 to index
      %get3A_233 = arith.constant 128 : index
      %get3A_234 = tpu.vector_load %arg7[%get3A_232, %get3A_233] {strides = array<i32>} : memref<64x200xi32, #tpu.memory_space<vmem>>, vector<16xi32>,
      %get3A_235 = arith.index_cast %scan3A_208 : i32 to index
      %get3A_236 = arith.constant 144 : index
      %get3A_237 = tpu.vector_load %arg7[%get3A_235, %get3A_236] {strides = array<i32>} : memref<64x200xi32, #tpu.memory_space<vmem>>, vector<16xi32>,
      %get3A_238 = arith.index_cast %scan3A_208 : i32 to index
      %get3A_239 = arith.constant 160 : index
      %get3A_240 = tpu.vector_load %arg7[%get3A_238, %get3A_239] {strides = array<i32>} : memref<64x200xi32, #tpu.memory_space<vmem>>, vector<16xi32>,
      %get3A_241 = arith.index_cast %scan3A_208 : i32 to index
      %get3A_242 = arith.constant 176 : index
      %get3A_243 = tpu.vector_load %arg7[%get3A_241, %get3A_242] {strides = array<i32>} : memref<64x200xi32, #tpu.memory_space<vmem>>, vector<16xi32>,
      %get3A_244 = arith.index_cast %scan3A_208 : i32 to index
      %get3A_245 = arith.constant 184 : index
      %get3A_246 = tpu.vector_load %arg7[%get3A_244, %get3A_245] {strides = array<i32>} : memref<64x200xi32, #tpu.memory_space<vmem>>, vector<16xi32>,
      %gather3A = tpu.vector_load_idx %arg5[%get3A_210] : memref<1000xf32, #tpu.memory_space<vmem>>[vector<16xi32>], vector<16xf32>,
      %gather3A_247 = tpu.vector_load_idx %arg5[%get3A_213] : memref<1000xf32, #tpu.memory_space<vmem>>[vector<16xi32>], vector<16xf32>,
      %gather3A_248 = tpu.vector_load_idx %arg5[%get3A_216] : memref<1000xf32, #tpu.memory_space<vmem>>[vector<16xi32>], vector<16xf32>,
      %gather3A_249 = tpu.vector_load_idx %arg5[%get3A_219] : memref<1000xf32, #tpu.memory_space<vmem>>[vector<16xi32>], vector<16xf32>,
      %gather3A_250 = tpu.vector_load_idx %arg5[%get3A_222] : memref<1000xf32, #tpu.memory_space<vmem>>[vector<16xi32>], vector<16xf32>,
      %gather3A_251 = tpu.vector_load_idx %arg5[%get3A_225] : memref<1000xf32, #tpu.memory_space<vmem>>[vector<16xi32>], vector<16xf32>,
      %gather3A_252 = tpu.vector_load_idx %arg5[%get3A_228] : memref<1000xf32, #tpu.memory_space<vmem>>[vector<16xi32>], vector<16xf32>,
      %gather3A_253 = tpu.vector_load_idx %arg5[%get3A_231] : memref<1000xf32, #tpu.memory_space<vmem>>[vector<16xi32>], vector<16xf32>,
      %gather3A_254 = tpu.vector_load_idx %arg5[%get3A_234] : memref<1000xf32, #tpu.memory_space<vmem>>[vector<16xi32>], vector<16xf32>,
      %gather3A_255 = tpu.vector_load_idx %arg5[%get3A_237] : memref<1000xf32, #tpu.memory_space<vmem>>[vector<16xi32>], vector<16xf32>,
      %gather3A_256 = tpu.vector_load_idx %arg5[%get3A_240] : memref<1000xf32, #tpu.memory_space<vmem>>[vector<16xi32>], vector<16xf32>,
      %gather3A_257 = tpu.vector_load_idx %arg5[%get3A_243] : memref<1000xf32, #tpu.memory_space<vmem>>[vector<16xi32>], vector<16xf32>,
      %gather3A_258 = tpu.vector_load_idx %arg5[%get3A_246] : memref<1000xf32, #tpu.memory_space<vmem>>[vector<16xi32>], vector<16xf32>,
      %swap3A = arith.index_cast %scan3A_208 : i32 to index
      %swap3A_259 = arith.constant 0 : index
      %swap3A_260 = tpu.vector_load %arg10[%swap3A, %swap3A_259] {strides = array<i32>} : memref<64x200xf32, #tpu.memory_space<vmem>>, vector<16xf32>,
      tpu.vector_store %arg10[%swap3A, %swap3A_259], %gather3A {strides = array<i32>} : memref<64x200xf32, #tpu.memory_space<vmem>>, vector<16xf32>,
      %swap3A_261 = arith.index_cast %scan3A_208 : i32 to index
      %swap3A_262 = arith.constant 16 : index
      %swap3A_263 = tpu.vector_load %arg10[%swap3A_261, %swap3A_262] {strides = array<i32>} : memref<64x200xf32, #tpu.memory_space<vmem>>, vector<16xf32>,
      tpu.vector_store %arg10[%swap3A_261, %swap3A_262], %gather3A_247 {strides = array<i32>} : memref<64x200xf32, #tpu.memory_space<vmem>>, vector<16xf32>,
      %swap3A_264 = arith.index_cast %scan3A_208 : i32 to index
      %swap3A_265 = arith.constant 32 : index
      %swap3A_266 = tpu.vector_load %arg10[%swap3A_264, %swap3A_265] {strides = array<i32>} : memref<64x200xf32, #tpu.memory_space<vmem>>, vector<16xf32>,
      tpu.vector_store %arg10[%swap3A_264, %swap3A_265], %gather3A_248 {strides = array<i32>} : memref<64x200xf32, #tpu.memory_space<vmem>>, vector<16xf32>,
      %swap3A_267 = arith.index_cast %scan3A_208 : i32 to index
      %swap3A_268 = arith.constant 48 : index
      %swap3A_269 = tpu.vector_load %arg10[%swap3A_267, %swap3A_268] {strides = array<i32>} : memref<64x200xf32, #tpu.memory_space<vmem>>, vector<16xf32>,
      tpu.vector_store %arg10[%swap3A_267, %swap3A_268], %gather3A_249 {strides = array<i32>} : memref<64x200xf32, #tpu.memory_space<vmem>>, vector<16xf32>,
      %swap3A_270 = arith.index_cast %scan3A_208 : i32 to index
      %swap3A_271 = arith.constant 64 : index
      %swap3A_272 = tpu.vector_load %arg10[%swap3A_270, %swap3A_271] {strides = array<i32>} : memref<64x200xf32, #tpu.memory_space<vmem>>, vector<16xf32>,
      tpu.vector_store %arg10[%swap3A_270, %swap3A_271], %gather3A_250 {strides = array<i32>} : memref<64x200xf32, #tpu.memory_space<vmem>>, vector<16xf32>,
      %swap3A_273 = arith.index_cast %scan3A_208 : i32 to index
      %swap3A_274 = arith.constant 80 : index
      %swap3A_275 = tpu.vector_load %arg10[%swap3A_273, %swap3A_274] {strides = array<i32>} : memref<64x200xf32, #tpu.memory_space<vmem>>, vector<16xf32>,
      tpu.vector_store %arg10[%swap3A_273, %swap3A_274], %gather3A_251 {strides = array<i32>} : memref<64x200xf32, #tpu.memory_space<vmem>>, vector<16xf32>,
      %swap3A_276 = arith.index_cast %scan3A_208 : i32 to index
      %swap3A_277 = arith.constant 96 : index
      %swap3A_278 = tpu.vector_load %arg10[%swap3A_276, %swap3A_277] {strides = array<i32>} : memref<64x200xf32, #tpu.memory_space<vmem>>, vector<16xf32>,
      tpu.vector_store %arg10[%swap3A_276, %swap3A_277], %gather3A_252 {strides = array<i32>} : memref<64x200xf32, #tpu.memory_space<vmem>>, vector<16xf32>,
      %swap3A_279 = arith.index_cast %scan3A_208 : i32 to index
      %swap3A_280 = arith.constant 112 : index
      %swap3A_281 = tpu.vector_load %arg10[%swap3A_279, %swap3A_280] {strides = array<i32>} : memref<64x200xf32, #tpu.memory_space<vmem>>, vector<16xf32>,
      tpu.vector_store %arg10[%swap3A_279, %swap3A_280], %gather3A_253 {strides = array<i32>} : memref<64x200xf32, #tpu.memory_space<vmem>>, vector<16xf32>,
      %swap3A_282 = arith.index_cast %scan3A_208 : i32 to index
      %swap3A_283 = arith.constant 128 : index
      %swap3A_284 = tpu.vector_load %arg10[%swap3A_282, %swap3A_283] {strides = array<i32>} : memref<64x200xf32, #tpu.memory_space<vmem>>, vector<16xf32>,
      tpu.vector_store %arg10[%swap3A_282, %swap3A_283], %gather3A_254 {strides = array<i32>} : memref<64x200xf32, #tpu.memory_space<vmem>>, vector<16xf32>,
      %swap3A_285 = arith.index_cast %scan3A_208 : i32 to index
      %swap3A_286 = arith.constant 144 : index
      %swap3A_287 = tpu.vector_load %arg10[%swap3A_285, %swap3A_286] {strides = array<i32>} : memref<64x200xf32, #tpu.memory_space<vmem>>, vector<16xf32>,
      tpu.vector_store %arg10[%swap3A_285, %swap3A_286], %gather3A_255 {strides = array<i32>} : memref<64x200xf32, #tpu.memory_space<vmem>>, vector<16xf32>,
      %swap3A_288 = arith.index_cast %scan3A_208 : i32 to index
      %swap3A_289 = arith.constant 160 : index
      %swap3A_290 = tpu.vector_load %arg10[%swap3A_288, %swap3A_289] {strides = array<i32>} : memref<64x200xf32, #tpu.memory_space<vmem>>, vector<16xf32>,
      tpu.vector_store %arg10[%swap3A_288, %swap3A_289], %gather3A_256 {strides = array<i32>} : memref<64x200xf32, #tpu.memory_space<vmem>>, vector<16xf32>,
      %swap3A_291 = arith.index_cast %scan3A_208 : i32 to index
      %swap3A_292 = arith.constant 176 : index
      %swap3A_293 = tpu.vector_load %arg10[%swap3A_291, %swap3A_292] {strides = array<i32>} : memref<64x200xf32, #tpu.memory_space<vmem>>, vector<16xf32>,
      tpu.vector_store %arg10[%swap3A_291, %swap3A_292], %gather3A_257 {strides = array<i32>} : memref<64x200xf32, #tpu.memory_space<vmem>>, vector<16xf32>,
      %swap3A_294 = arith.index_cast %scan3A_208 : i32 to index
      %swap3A_295 = arith.constant 184 : index
      %swap3A_296 = tpu.vector_load %arg10[%swap3A_294, %swap3A_295] {strides = array<i32>} : memref<64x200xf32, #tpu.memory_space<vmem>>, vector<16xf32>,
      tpu.vector_store %arg10[%swap3A_294, %swap3A_295], %gather3A_258 {strides = array<i32>} : memref<64x200xf32, #tpu.memory_space<vmem>>, vector<16xf32>,
    }
    %scan3A_189 = arith.constant 64 : i32
    %add3A_190 = arith.constant 448 : i32
    %add3A_191 = arith.addi %mul3A_2, %add3A_190 : i32
    %dma_start3A_192 = arith.constant 0 : i32
    %dma_start3A_193 = tpu.memref_slice %arg4[%add3A_191, %dma_start3A_192] : memref<16384x200xf32, #tpu.memory_space<hbm>> -> memref<64x200xf32, #tpu.memory_space<hbm>>
    %dma_start3A_194 = arith.constant 0 : i32
    %dma_start3A_195 = tpu.memref_slice %arg4[%add3A_191, %dma_start3A_194] : memref<16384x200xf32, #tpu.memory_space<hbm>> -> memref<64x200xf32, #tpu.memory_space<hbm>>
    tpu.enqueue_dma source(%arg10 : memref<64x200xf32, #tpu.memory_space<vmem>>) target(%dma_start3A_195 : memref<64x200xf32, #tpu.memory_space<hbm>>) target_semaphore(%arg16 : memref<!tpu.dma_semaphore, #tpu.memory_space<semaphore_mem>>)
    %dma_wait3A_196 = arith.constant 0 : i32
    %dma_wait3A_197 = tpu.memref_slice %arg4[%add3A_151, %dma_wait3A_196] : memref<16384x200xf32, #tpu.memory_space<hbm>> -> memref<64x200xf32, #tpu.memory_space<hbm>>
    %dma_wait3A_198 = arith.constant 0 : i32
    %dma_wait3A_199 = tpu.memref_slice %arg4[%add3A_151, %dma_wait3A_198] : memref<16384x200xf32, #tpu.memory_space<hbm>> -> memref<64x200xf32, #tpu.memory_space<hbm>>
    tpu.wait_dma2 semaphore(%arg17 : memref<!tpu.dma_semaphore, #tpu.memory_space<semaphore_mem>>) src(%arg11 : memref<64x200xf32, #tpu.memory_space<vmem>>) dst(%dma_wait3A_199 : memref<64x200xf32, #tpu.memory_space<hbm>>)
    %dma_wait3A_200 = arith.constant 0 : i32
    %dma_wait3A_201 = tpu.memref_slice %arg4[%add3A_171, %dma_wait3A_200] : memref<16384x200xf32, #tpu.memory_space<hbm>> -> memref<64x200xf32, #tpu.memory_space<hbm>>
    %dma_wait3A_202 = arith.constant 0 : i32
    %dma_wait3A_203 = tpu.memref_slice %arg4[%add3A_171, %dma_wait3A_202] : memref<16384x200xf32, #tpu.memory_space<hbm>> -> memref<64x200xf32, #tpu.memory_space<hbm>>
    tpu.wait_dma2 semaphore(%arg15 : memref<!tpu.dma_semaphore, #tpu.memory_space<semaphore_mem>>) src(%arg9 : memref<64x200xf32, #tpu.memory_space<vmem>>) dst(%dma_wait3A_203 : memref<64x200xf32, #tpu.memory_space<hbm>>)
    %dma_wait3A_204 = arith.constant 0 : i32
    %dma_wait3A_205 = tpu.memref_slice %arg4[%add3A_191, %dma_wait3A_204] : memref<16384x200xf32, #tpu.memory_space<hbm>> -> memref<64x200xf32, #tpu.memory_space<hbm>>
    %dma_wait3A_206 = arith.constant 0 : i32
    %dma_wait3A_207 = tpu.memref_slice %arg4[%add3A_191, %dma_wait3A_206] : memref<16384x200xf32, #tpu.memory_space<hbm>> -> memref<64x200xf32, #tpu.memory_space<hbm>>
    tpu.wait_dma2 semaphore(%arg16 : memref<!tpu.dma_semaphore, #tpu.memory_space<semaphore_mem>>) src(%arg10 : memref<64x200xf32, #tpu.memory_space<vmem>>) dst(%dma_wait3A_207 : memref<64x200xf32, #tpu.memory_space<hbm>>)
    return
  }
}

module attributes {stable_mosaic.version = 14 : i64} {
  func.func @_prob_body(%arg0: memref<1000x64xf32, #tpu.memory_space<vmem>>, %arg1: memref<1x64xf32, #tpu.memory_space<vmem>>, %arg2: memref<1x1xf32, #tpu.memory_space<vmem>>, %arg3: memref<1000x1xf32, #tpu.memory_space<vmem>>) attributes {dimension_semantics = [], scalar_prefetch = 0 : i64, scratch_operands = 0 : i64, tpu.core_type = #tpu.core_type<tc>} {
    %get3A = arith.constant 0 : index
    %get3A_0 = arith.constant 0 : index
    %get3A_1 = vector.load %arg0[%get3A, %get3A_0] : memref<1000x64xf32, #tpu.memory_space<vmem>>, vector<1000x64xf32>
    %get3A_2 = arith.constant 0 : index
    %get3A_3 = arith.constant 0 : index
    %get3A_4 = vector.load %arg1[%get3A_2, %get3A_3] : memref<1x64xf32, #tpu.memory_space<vmem>>, vector<1x64xf32>
    %mul3A = vector.broadcast %get3A_4 : vector<1x64xf32> to vector<1000x64xf32>
    %mul3A_5 = arith.mulf %get3A_1, %mul3A : vector<1000x64xf32>
    %reduce_sum3A = arith.constant dense<0.000000e+00> : vector<1000xf32>
    %reduce_sum3A_6 = vector.multi_reduction <add>, %mul3A_5, %reduce_sum3A [1] : vector<1000x64xf32> to vector<1000xf32>
    %broadcast_in_dim3A = vector.shape_cast %reduce_sum3A_6 : vector<1000xf32> to vector<1000x1xf32>
    %get3A_7 = arith.constant 0 : index
    %get3A_8 = arith.constant 0 : index
    %get3A_9 = vector.load %arg2[%get3A_7, %get3A_8] : memref<1x1xf32, #tpu.memory_space<vmem>>, vector<1x1xf32>
    %add3A = vector.broadcast %get3A_9 : vector<1x1xf32> to vector<1000x1xf32>
    %add3A_10 = arith.addf %broadcast_in_dim3A, %add3A : vector<1000x1xf32>
    %logistic3A = arith.negf %add3A_10 : vector<1000x1xf32>
    %logistic3A_11 = math.exp %logistic3A : vector<1000x1xf32>
    %logistic3A_12 = arith.constant 1.000000e+00 : f32
    %logistic3A_13 = vector.broadcast %logistic3A_12 : f32 to vector<1000x1xf32>
    %logistic3A_14 = arith.addf %logistic3A_13, %logistic3A_11 : vector<1000x1xf32>
    %logistic3A_15 = arith.divf %logistic3A_13, %logistic3A_14 : vector<1000x1xf32>
    %swap3A = arith.constant 0 : index
    %swap3A_16 = arith.constant 0 : index
    %swap3A_17 = vector.load %arg3[%swap3A, %swap3A_16] : memref<1000x1xf32, #tpu.memory_space<vmem>>, vector<1000x1xf32>
    tpu.vector_store %arg3[%swap3A, %swap3A_16], %logistic3A_15 {strides = array<i32>} : memref<1000x1xf32, #tpu.memory_space<vmem>>, vector<1000x1xf32>,
    return
  }
}

</mosaic_0001>

<sc_bundles>
// kernel: kernel.4.cloned.1.call-start
scs
__scs_entry_jumppad:
0x0: {  	(pc) =	sbr.rel $0x88, $3  }
0x1: {  	(tag) =	ssettag $0x0;
	lr =	simm.s32 $0x1  }
0x2: {  	[smem:$0x3F9D] =	sst lr;
	_ =	strace $0xD0000000  }
0x3: {  	_ = 	snop  }
0x4: {  	_ = 	snop  }
0x5: {  	_ = 	snop  }
0x6: {  	_ = 	snop  }
0x7: {  	_ = 	snop  }
__scs_overlays_trampoline_lowered:
0x8: {  	[smem:$0x3FAC] =	sst s0  }
0x9: {  	[smem:$0x3FAD] =	sst s1  }
0xa: {  	[smem:$0x3FAE] =	sst s2  }
0xb: {  	[smem:$0x3FAF] =	sst s3  }
0xc: {  	[smem:$0x3FB0] =	sst s4  }
0xd: {  	[smem:$0x3FB1] =	sst s5  }
0xe: {  	[smem:$0x3FB2] =	sst s6  }
0xf: {  	[smem:$0x3FB3] =	sst s7  }
0x10: {  	[smem:$0x3FB4] =	sst s8  }
0x11: {  	[smem:$0x3FB5] =	sst s9;
	s0 =	simm.s32 @!p0 $0x0  }
0x12: {  	s1 =	sld [smem:$0x3F9B];
	s0 =	simm.s32 @p0 $0x1  }
0x13: {  	[smem:$0x3FB6] =	sst s0;
	s0 =	simm.s32 @!p1 $0x0  }
0x14: {  	s2 =	sld [smem:$0x3F9A];
	s0 =	simm.s32 @p1 $0x1  }
0x15: {  	[smem:$0x3FB7] =	sst s0;
	s0 =	simm.s32 @!p2 $0x0  }
0x16: {  	s3 =	sld [smem:$0x3FDB];
	s0 =	simm.s32 @p2 $0x1  }
0x17: {  	s4 =	simm.s32 $0x1BF5;
	[smem:$0x3FB9] =	sst s0  }
0x18: {  	s0 =	sld [smem:$0x3F9C];
	_ =	swait.ge [sflag:s4], $0x0  }
0x19: {  	s7 =	sld [smem:$0x3F9D]  }
0x1a: {  	s8 =	sadd.s32 $0xFFFFE003, lr  }
0x1b: {  	s9 =	sadd.s32 $0xFFFFFEF7, lr;
	s5 =	simm.s32 $0xFFFFFFFF;
	p2 =	slt.u32 s8, $0xFFFFF086  }
0x1c: {  	p1 =	slt.u32 s9, $0xF7A;
	s5 =	simm.s32 @!p2 $0x0  }
0x1d: {  	s5 =	simm.s32 @p1 $0x1;
	p0 =	seq.s32 s7, s2  }
0x1e: {  	s7 =	smul.u32 @!p0 $0xF7A, s2;
	p2 =	seq.s32 @!p0 s5, $0x0  }
0x1f: {  	s9 =	smul.u32 $0xF7A, s1;
	s8 =	simm.s32 @!p0 $0x1BF5;
	p2 =	por !p2, p0  }
0x20: {  	[sflag:s8] =	ssyncset.s32 @!p0 $0xFFFFF086;
	s6 =	sadd.s32 @!p0 s3, s7;
	s7 =	simm.s32 @!p0 $0x108  }
0x21: {  	s3 =	sadd.s32 s3, s9;
	s6 =	sadd.s32 @!p0 $0x88, s6;
	s7 =	simm.s32 @p2 $0x1082  }
0x22: {  	[simem:s7], [sflag:s8] =	dma.local @!p0 [hbm:s6], $0xF7A  }
0x23: {  	s9 =	sor.u32 $0xD0000000, s2;
	s6 =	simm.s32 $0x108;
	_ =	swait.ge @!p0 [sflag:s8], $0x0  }
0x24: {  	s3 =	sadd.s32 $0x88, s3;
	s6 =	simm.s32 @!p1 $0x1082;
	[sflag:s4] =	ssyncset.s32 $0xFFFFF086  }
0x25: {  	[simem:s6], [sflag:s4] =	dma.local [hbm:s3], $0xF7A  }
0x26: {  	[smem:$0x3F9D] =	sst s1;
	(tag) =	ssettag s2;
	_ =	strace s9  }
0x27: {  	s1 =	sld [smem:$0x3FAD]  }
0x28: {  	s2 =	sld [smem:$0x3FAE]  }
0x29: {  	s4 =	sld [smem:$0x3FB0]  }
0x2a: {  	p0 =	seq.s32 s5, $0x0;
	s5 =	sld [smem:$0x3FB1]  }
0x2b: {  	s6 =	sld [smem:$0x3FB2]  }
0x2c: {  	s7 =	sld [smem:$0x3FB3]  }
0x2d: {  	s3 =	simm.s32 $0x108;
	s8 =	sld [smem:$0x3FB4]  }
0x2e: {  	s3 =	simm.s32 @!p0 $0x1082;
	s9 =	sld [smem:$0x3FB5]  }
0x2f: {  	lr =	sadd.s32 s0, s3;
	s0 =	sld [smem:$0x3FAC]  }
0x30: {  	s3 =	sld [smem:$0x3FAF]  }
0x31: {  	[smem:$0x3FB8] =	sst s10  }
0x32: {  	s10 =	sld [smem:$0x3FB6];
	_ =	sdelay $0x3  }
0x33: {  	p0 =	seq.s32 s10, $0x1;
	s10 =	sld [smem:$0x3FB8];
	_ =	sdelay $0x3  }
0x34: {  	[smem:$0x3FB8] =	sst s10  }
0x35: {  	s10 =	sld [smem:$0x3FB7];
	_ =	sdelay $0x3  }
0x36: {  	p1 =	seq.s32 s10, $0x1;
	s10 =	sld [smem:$0x3FB8];
	_ =	sdelay $0x3  }
0x37: {  	[smem:$0x3FB8] =	sst s10  }
0x38: {  	s10 =	sld [smem:$0x3FB9]  }
0x39: {  	_ = 	snop;
	(pc) =	sbr.ind lr, $3  }
0x3a: {  	_ = 	snop  }
0x3b: {  	_ = 	snop  }
0x3c: {  	p2 =	seq.s32 s10, $0x1;
	s10 =	sld [smem:$0x3FB8]  }
0x3d: {  	_ =	shalt  }
0x3e: {  	_ =	shalt  }
0x3f: {  	_ =	shalt  }
0x40: {  	_ =	shalt  }
0x41: {  	_ =	shalt  }
0x42: {  	_ =	shalt  }
0x43: {  	_ =	shalt  }
0x44: {  	_ =	shalt  }
0x45: {  	_ =	shalt  }
0x46: {  	_ =	shalt  }
0x47: {  	_ =	shalt  }
0x48: {  	_ =	shalt  }
0x49: {  	_ =	shalt  }
0x4a: {  	_ =	shalt  }
0x4b: {  	_ =	shalt  }
0x4c: {  	_ =	shalt  }
0x4d: {  	_ =	shalt  }
0x4e: {  	_ =	shalt  }
0x4f: {  	_ =	shalt  }
0x50: {  	_ =	shalt  }
0x51: {  	_ =	shalt  }
0x52: {  	_ =	shalt  }
0x53: {  	_ =	shalt  }
0x54: {  	_ =	shalt  }
0x55: {  	_ =	shalt  }
0x56: {  	_ =	shalt  }
0x57: {  	_ =	shalt  }
0x58: {  	_ =	shalt  }
0x59: {  	_ =	shalt  }
0x5a: {  	_ =	shalt  }
0x5b: {  	_ =	shalt  }
0x5c: {  	_ =	shalt  }
0x5d: {  	_ =	shalt  }
0x5e: {  	_ =	shalt  }
0x5f: {  	_ =	shalt  }
0x60: {  	_ =	shalt  }
0x61: {  	_ =	shalt  }
0x62: {  	_ =	shalt  }
0x63: {  	_ =	shalt  }
0x64: {  	_ =	shalt  }
0x65: {  	_ =	shalt  }
0x66: {  	_ =	shalt  }
0x67: {  	_ =	shalt  }
0x68: {  	_ =	shalt  }
0x69: {  	_ =	shalt  }
0x6a: {  	_ =	shalt  }
0x6b: {  	_ =	shalt  }
0x6c: {  	_ =	shalt  }
0x6d: {  	_ =	shalt  }
0x6e: {  	_ =	shalt  }
0x6f: {  	_ =	shalt  }
0x70: {  	_ =	shalt  }
0x71: {  	_ =	shalt  }
0x72: {  	_ =	shalt  }
0x73: {  	_ =	shalt  }
0x74: {  	_ =	shalt  }
0x75: {  	_ =	shalt  }
0x76: {  	_ =	shalt  }
0x77: {  	_ =	shalt  }
0x78: {  	_ =	shalt  }
0x79: {  	_ =	shalt  }
0x7a: {  	_ =	shalt  }
0x7b: {  	_ =	shalt  }
0x7c: {  	_ =	shalt  }
0x7d: {  	_ =	shalt  }
0x7e: {  	_ =	shalt  }
0x7f: {  	_ =	shalt  }
0x80: {  	_ =	shalt  }
0x81: {  	_ =	shalt  }
0x82: {  	_ =	shalt  }
0x83: {  	_ =	shalt  }
0x84: {  	_ =	shalt  }
0x85: {  	_ =	shalt  }
0x86: {  	_ =	shalt  }
0x87: {  	_ =	shalt  }
.Lfunc_end0:
.L_simem_size_0:
called_computation_lowered:
.L_overlay_start_0:
0x88: {  	s2 =	sld [smem:$0x3FD9]  }
0x89: {  	s3 =	sld [smem:$0x3FFE];
	_ =	sdelay $0x1  }
0x8a: {  	s1 =	srdreg.scid  }
0x8b: {  	s0 =	sand.u32 $0x1, s1  }
0x8c: {  	s17 =	sshll.u32 s0, $0xA;
	s2 =	sadd.s32 s3, s2  }
0x8d: {  	s2 =	sadd.s32 s2, s17  }
0x8e: {  	[smem:$0x3FC4] =	sst s2  }
0x8f: {  	_ = 	snop  }
0x90: {  	s2 =	sld [smem:$0x3FD0];
	(tm) =	ssettm $0x1  }
0x91: {  	s18 =	sld [smem:$0x3FFB];
	_ =	sdelay $0x3  }
0x92: {  	_ =	strace s18  }
0x93: {  	s3 =	sld [smem:$0x3FFC];
	_ =	sdelay $0x3  }
0x94: {  	_ =	strace s3  }
0x95: {  	s3 =	sld [smem:$0x3FFD];
	_ =	sdelay $0x3  }
0x96: {  	_ =	strace s3  }
0x97: {  	_ =	strace $0x8FFFFFFF  }
0x98: {  	s19 =	sld [smem:$0x3FDB];
	_ =	sdelay $0x1  }
0x99: {  	s4 =	simm.s32 $_scs_section_size  }
0x9a: {  	s5 =	simm.s32 $_size__tile_overlayer_lowered;
	s6 =	simm.s32 $_tile_overlayer_lowered  }
0x9b: {  	s22 =	simm.s32 $0x1BFF;
	s21 =	sshll.u32 s6, $0x1;
	s3 =	sadd.s32 s4, s19  }
0x9c: {  	s7 =	simm.s32 $0x0;
	s20 =	sshll.u32 s5, $0x1;
	s5 =	sadd.s32 s21, s3  }
0x9d: {  	[timem:s7], [sflag:s22] =	dma.local [hbm:s5], s20  }
0x9e: {  	_ =	swait.ge [sflag:s22], s20  }
0x9f: {  	s4 =	ssub.s32 $0x0, s20;
	[sflag:s22] =	ssyncset.done $0x0  }
0xa0: {  	[sflag:s22] =	ssyncadd.s32 s4;
	_ =	sdelay $0x1  }
0xa1: {  	s23 =	simm.s32 $0x1B8B  }
0xa2: {  	_ =	swait.ge [sflag:s23], $0x1  }
0xa3: {  	[sflag:s23] =	ssyncset.done $0x0  }
0xa4: {  	s25 =	simm.s32 $0x1B8E;
	s24 =	sld [smem:$0x3FFE];
	[sflag:s23] =	ssyncadd.s32 $0xFFFFFFFF  }
0xa5: {  	s26 =	simm.s32 $execute0_lowered;
	[smem:$0x3FD2] =	sst s25  }
0xa6: {  	s5 =	sshll.u32 s26, $0x1;
	_ =	strace $0x80000046;
	[dreg:$0x1] =	wrdreg $0xFFFFFFFF  }
0xa7: {  	s28 =	simm.s32 $_size_execute0_lowered;
	s3 =	sadd.s32 s3, s5;
	[dreg:$0x0] =	wrdreg $0x0  }
0xa8: {  	s5 =	sshll.u32 s28, $0x1;
	[dreg:$0x2] =	wrdreg s3  }
0xa9: {  	[dreg:$0x3] =	wrdreg s5  }
0xaa: {  	[dreg:$0x4] =	wrdreg $0xC0  }
0xab: {  	_ =	task [dreg:s7], $0x5FFFF  }
0xac: {  	[dreg:$0x1] =	wrdreg $0xFFFFFFFF  }
0xad: {  	[dreg:$0x0] =	wrdreg $0x60  }
0xae: {  	[dreg:$0x2] =	wrdreg s2  }
0xaf: {  	[dreg:$0x3] =	wrdreg s24  }
0xb0: {  	[dreg:$0x4] =	wrdreg $0x9  }
0xb1: {  	_ =	task.clear_ibuf [dreg:s7], $0x5FFFF;
	_ =	strace $0x90000046  }
0xb2: {  	s29 =	simm.s32 $0x9;
	_ =	strace $0x80000048  }
0xb3: {  	_ =	swait.ge [sflag:s29], $0x1  }
0xb4: {  	[sflag:s29] =	ssyncadd.s32 $0xFFFFFFFF  }
0xb5: {  	_ =	strace $0x90000048  }
0xb6: {  	_ =	sfence  }
0xb7: {  	s30 =	sld [smem:$0x0];
	_ =	sdelay $0x2  }
0xb8: {  	s31 =	sshll.u32 s1, $0xD;
	s1 =	sshrl.u32 s1, $0x2  }
0xb9: {  	s3 =	sand.u32 $0x4000, s31;
	s1 =	sadd.s32 s1, s30  }
0xba: {  	s0 =	sor.u32 s3, s0;
	s1 =	sshll.u32 s1, $0x11  }
0xbb: {  	s0 =	sor.u32 s1, s0  }
0xbc: {  	s0 =	sadd.s32 $0x8F2B, s0  }
0xbd: {  	[sflag:s0] =	ssyncadd.remote.s32 $0x1  }
0xbe: {  	_ =	sfence.sel $0xFFFF  }
0xbf: {  	[dreg:$0x0] =	wrdreg $0xFFFFFFFF;
	(pc) =	sbr.abs _section_cstart, $3  }
0xc0: {  	[dreg:$0x1] =	wrdreg $0xFFFFFFFF  }
0xc1: {  	_ =	task.clear_ibuf [dreg:s7], $0x2FFFF;
	_ =	strace $0x9FFFFFFF  }
0xc2: {  	(tm) =	ssettm $0x7FFFFFFF  }
0xc3: {  	_ =	shalt  }
tec
execute0_lowered:
.L_overlay_start_1:
0x0: {  	(tag) =	ssettag $0x1  }
0x1: {  	s0 =	rddreg [dreg:$0x1];
	s2 =	simm.s32 $0x0;
	s1 =	srdreg.scid  }
0x2: {  	s5 =	stileid.u32;
	s28 =	simm.s32 $0x2;
	s29 =	simm.s32 $0x10400  }
0x3: {  	s30 =	simm.s32 $0x3;
	s31 =	simm.s32 $0x14400;
	[smem:$0x7FF] =	sst s2  }
0x4: {  	s3 =	sadd.s32 $0x200, s0;
	s1 =	sand.u32 $0x1, s1;
	s5 =	sshll.u32 s5, $0xF  }
0x5: {  	s0 =	sadd.s32 $0x80200, s0;
	s4 =	ssub.s32 $0x2, s1;
	s1 =	sshll.u32 s1, $0xE  }
0x6: {  	_ =	strace $0x80000047;
	s6 =	sshrl.u32 s4, $0x1;
	s1 =	sor.u32 s1, s5  }
0x7: {  	s4 =	ssub.s32 s4, s6;
	s5 =	sadd.s32 s3, s1;
	s20 =	sor.u32 $0x800, s1  }
0x8: {  	s22 =	sor.u32 $0x1000, s1;
	s7 =	sor.u32 $0x1800, s1;
	s23 =	sadd.s32 s0, s1  }
0x9: {  	s25 =	sor.u32 $0x2000, s1;
	s17 =	sor.u32 $0x2800, s1;
	s26 =	sor.u32 $0x3000, s1  }
0xa: {  	s1 =	sor.u32 $0x3800, s1;
	[dreg:$0x3] =	wrdreg s5;
	s21 =	sadd.s32 s3, s20  }
0xb: {  	s8 =	sadd.s32 s3, s22;
	[dreg:$0x6] =	wrdreg s23;
	s24 =	sadd.s32 s3, s7  }
0xc: {  	s9 =	sadd.s32 s0, s20;
	s10 =	sadd.s32 s3, s25;
	s11 =	sadd.s32 s0, s22  }
0xd: {  	s12 =	sadd.s32 s3, s17;
	s13 =	sadd.s32 s0, s7;
	s14 =	sadd.s32 s3, s26  }
0xe: {  	s15 =	sadd.s32 s0, s25;
	s16 =	sadd.s32 s3, s1;
	s17 =	sadd.s32 s0, s17  }
0xf: {  	s18 =	sadd.s32 s0, s26;
	s19 =	sadd.s32 s0, s1;
	s20 =	smax.u32 s4, $0x1  }
0x10: {  	s22 =	simm.s32 $0x400;
	s23 =	simm.s32 $0x4400;
	s25 =	simm.s32 $0x1  }
0x11: {  	s26 =	simm.s32 $0xC400;
	s0 =	simm.s32 $0x4;
	[dreg:$0x4] =	wrdreg s21  }
0x12: {  	s3 =	simm.s32 $0x5;
	s1 =	simm.s32 $0x6;
	[dreg:$0x5] =	wrdreg s8  }
0x13: {  	s4 =	simm.s32 $0x0;
	[dreg:$0x7] =	wrdreg s24;
	s21 =	simm.s32 $0x7  }
.LBB2_1:
0x14: {  	s5 =	rddreg [dreg:$0x0]  }
0x15: {  	[tilespmem:s2], [sflag:$0x7] =	stream.linear.gather [hbm4b:s5+s2], $0x400, $0x38;
	[tilespmem:$0x18400] =	vst v63  }
0x16: {  	_ =	swait.ge [sflag:s21], $0x400  }
0x17: {  	[sflag:s21] =	ssyncset.done $0x0  }
0x18: {  	s24 =	rddreg [dreg:$0x3];
	[sflag:s21] =	ssyncadd.s32 $0xFFFFFC00  }
0x19: {  	[tilespmem:s22], [sflag:$0x1] =	stream.linear.gather [hbm4b:s24+s2], $0x4000, $0x38;
	[tilespmem:$0x18400] =	vst v63  }
0x1a: {  	s6 =	rddreg [dreg:$0x4]  }
0x1b: {  	[tilespmem:s23], [sflag:$0x2] =	stream.linear.gather [hbm4b:s6+s2], $0x4000, $0x38;
	[tilespmem:$0x18400] =	vst v63  }
0x1c: {  	s7 =	rddreg [dreg:$0x5];
	s6 =	simm.s32 $0x8400  }
0x1d: {  	[tilespmem:s6], [sflag:$0x3] =	stream.linear.gather [hbm4b:s7+s2], $0x4000, $0x38;
	[tilespmem:$0x18400] =	vst v63  }
0x1e: {  	_ =	swait.ge [sflag:s25], $0x4000  }
0x1f: {  	s8 =	sand.u32 $0x3800, s2;
	s24 =	sand.u32 $0x380, s2;
	[sflag:s25] =	ssyncset.done $0x0  }
0x20: {  	s5 =	sor.u32 s24, s8;
	[sflag:s25] =	ssyncadd.s32 $0xFFFFC000  }
0x21: {  	v0 =	vld [tilespmem:s5+$0x400]  }
0x22: {  	v1 =	vld [tilespmem:s5+$0x410]  }
0x23: {  	v2 =	vld [tilespmem:s5+$0x420]  }
0x24: {  	v3 =	vld [tilespmem:s5+$0x430]  }
0x25: {  	v4 =	vld [tilespmem:s5+$0x440]  }
0x26: {  	v5 =	vld [tilespmem:s5+$0x450]  }
0x27: {  	v6 =	vld [tilespmem:s5+$0x460]  }
0x28: {  	v7 =	vld [tilespmem:s5+$0x470]  }
0x29: {  	v8 =	vld [tilespmem:s5+$0x800]  }
0x2a: {  	v9 =	vld [tilespmem:s5+$0x810]  }
0x2b: {  	v10 =	vld [tilespmem:s5+$0x830]  }
0x2c: {  	v11 =	vld [tilespmem:s5+$0x838]  }
0x2d: {  	v12 =	vld.idx.msk [tilespmem:v4+s2+$0x0], $0xffff  }
0x2e: {  	v4 =	vld [tilespmem:s5+$0x820]  }
0x2f: {  	v13 =	vld.idx.msk [tilespmem:v0+s2+$0x0], $0xffff  }
0x30: {  	v14 =	vld.idx.msk [tilespmem:v1+s2+$0x0], $0xffff  }
0x31: {  	v15 =	vld.idx.msk [tilespmem:v2+s2+$0x0], $0xffff  }
0x32: {  	v16 =	vld.idx.msk [tilespmem:v3+s2+$0x0], $0xffff  }
0x33: {  	v17 =	vld.idx.msk [tilespmem:v5+s2+$0x0], $0xffff  }
0x34: {  	v0 =	vld.idx.msk [tilespmem:v10+s2+$0x0], $0xffff  }
0x35: {  	v1 =	vld.idx.msk [tilespmem:v11+s2+$0x0], $0xffff  }
0x36: {  	v11 =	vld.idx.msk [tilespmem:v6+s2+$0x0], $0xffff  }
0x37: {  	v7 =	vld.idx.msk [tilespmem:v7+s2+$0x0], $0xffff  }
0x38: {  	s7 =	simm.s32 $0x100;
	s6 =	simm.s32 $0x80;
	v18 =	vld.idx.msk [tilespmem:v8+s2+$0x0], $0xffff  }
0x39: {  	s7 =	sand.u32 $0x3800, s7;
	s24 =	sand.u32 $0x380, s6;
	v19 =	vld.idx.msk [tilespmem:v9+s2+$0x0], $0xffff  }
0x3a: {  	s24 =	sor.u32 s24, s7;
	v2 =	vld.idx.msk [tilespmem:v4+s2+$0x0], $0xffff;
	[tilespmem:s5+$0xC830] =	vst v0  }
0x3b: {  	v0 =	vld [tilespmem:s24+$0x400];
	[tilespmem:s5+$0xC838] =	vst v1  }
0x3c: {  	v1 =	vld [tilespmem:s24+$0x410];
	[tilespmem:s5+$0xC400] =	vst v13  }
0x3d: {  	v3 =	vld [tilespmem:s24+$0x420];
	[tilespmem:s5+$0xC410] =	vst v14  }
0x3e: {  	v4 =	vld [tilespmem:s24+$0x430];
	[tilespmem:s5+$0xC420] =	vst v15  }
0x3f: {  	v10 =	vld [tilespmem:s24+$0x440];
	[tilespmem:s5+$0xC430] =	vst v16  }
0x40: {  	v8 =	vld [tilespmem:s24+$0x450];
	[tilespmem:s5+$0xC440] =	vst v12  }
0x41: {  	v5 =	vld [tilespmem:s24+$0x460];
	[tilespmem:s5+$0xC450] =	vst v17  }
0x42: {  	v6 =	vld [tilespmem:s24+$0x470];
	[tilespmem:s5+$0xC460] =	vst v11  }
0x43: {  	v9 =	vld [tilespmem:s24+$0x800];
	[tilespmem:s5+$0xC470] =	vst v7  }
0x44: {  	v7 =	vld [tilespmem:s24+$0x810];
	[tilespmem:s5+$0xC800] =	vst v18  }
0x45: {  	s7 =	simm.s32 $0x200;
	v11 =	vld [tilespmem:s24+$0x830];
	[tilespmem:s5+$0xC810] =	vst v19  }
.LBB2_2:
0x46: {  	p0 =	sne.s32 s7, $0x3F00;
	v12 =	vld [tilespmem:s24+$0x838];
	[tilespmem:s5+$0xC820] =	vst v2;
	s5 =	smov.u32 s24  }
0x47: {  	v13 =	vld.idx.msk [tilespmem:v10+s2+$0x0], $0xffff  }
0x48: {  	v2 =	vld [tilespmem:s5+$0x820]  }
0x49: {  	v10 =	vld.idx.msk [tilespmem:v0+s2+$0x0], $0xffff  }
0x4a: {  	v14 =	vld.idx.msk [tilespmem:v1+s2+$0x0], $0xffff  }
0x4b: {  	v15 =	vld.idx.msk [tilespmem:v3+s2+$0x0], $0xffff  }
0x4c: {  	v16 =	vld.idx.msk [tilespmem:v4+s2+$0x0], $0xffff  }
0x4d: {  	v17 =	vld.idx.msk [tilespmem:v8+s2+$0x0], $0xffff  }
0x4e: {  	v0 =	vld.idx.msk [tilespmem:v11+s2+$0x0], $0xffff  }
0x4f: {  	v1 =	vld.idx.msk [tilespmem:v12+s2+$0x0], $0xffff  }
0x50: {  	v11 =	vld.idx.msk [tilespmem:v5+s2+$0x0], $0xffff  }
0x51: {  	v12 =	vld.idx.msk [tilespmem:v6+s2+$0x0], $0xffff  }
0x52: {  	s6 =	sadd.s32 $0x80, s6;
	v18 =	vld.idx.msk [tilespmem:v9+s2+$0x0], $0xffff  }
0x53: {  	s24 =	sand.u32 $0x3800, s7;
	s8 =	sand.u32 $0x380, s6;
	v19 =	vld.idx.msk [tilespmem:v7+s2+$0x0], $0xffff  }
0x54: {  	s24 =	sor.u32 s8, s24;
	v2 =	vld.idx.msk [tilespmem:v2+s2+$0x0], $0xffff;
	[tilespmem:s5+$0xC830] =	vst v0  }
0x55: {  	v0 =	vld [tilespmem:s24+$0x400];
	[tilespmem:s5+$0xC838] =	vst v1  }
0x56: {  	v1 =	vld [tilespmem:s24+$0x410];
	[tilespmem:s5+$0xC400] =	vst v10  }
0x57: {  	v3 =	vld [tilespmem:s24+$0x420];
	[tilespmem:s5+$0xC410] =	vst v14  }
0x58: {  	v4 =	vld [tilespmem:s24+$0x430];
	[tilespmem:s5+$0xC420] =	vst v15  }
0x59: {  	v10 =	vld [tilespmem:s24+$0x440];
	[tilespmem:s5+$0xC430] =	vst v16  }
0x5a: {  	v8 =	vld [tilespmem:s24+$0x450];
	[tilespmem:s5+$0xC440] =	vst v13  }
.Ltmp0:
0x5b: {  	v5 =	vld [tilespmem:s24+$0x460];
	[tilespmem:s5+$0xC450] =	vst v17;
	(pc) =	sbr.rel @p0 .LBB2_2-.Ltmp0, $4  }
0x5c: {  	v6 =	vld [tilespmem:s24+$0x470];
	[tilespmem:s5+$0xC460] =	vst v11  }
0x5d: {  	v9 =	vld [tilespmem:s24+$0x800];
	[tilespmem:s5+$0xC470] =	vst v12  }
0x5e: {  	v7 =	vld [tilespmem:s24+$0x810];
	[tilespmem:s5+$0xC800] =	vst v18  }
0x5f: {  	s7 =	sadd.s32 $0x100, s7;
	v11 =	vld [tilespmem:s24+$0x830];
	[tilespmem:s5+$0xC810] =	vst v19  }
0x60: {  	_ =	sdelay $0x2  }
0x61: {  	v12 =	vld [tilespmem:s24+$0x838];
	[tilespmem:s5+$0xC820] =	vst v2  }
0x62: {  	v2 =	vld.idx.msk [tilespmem:v10+s2+$0x0], $0xffff  }
0x63: {  	v10 =	vld [tilespmem:s24+$0x820]  }
0x64: {  	v0 =	vld.idx.msk [tilespmem:v0+s2+$0x0], $0xffff  }
0x65: {  	v1 =	vld.idx.msk [tilespmem:v1+s2+$0x0], $0xffff  }
0x66: {  	v3 =	vld.idx.msk [tilespmem:v3+s2+$0x0], $0xffff  }
0x67: {  	v4 =	vld.idx.msk [tilespmem:v4+s2+$0x0], $0xffff  }
0x68: {  	v8 =	vld.idx.msk [tilespmem:v8+s2+$0x0], $0xffff  }
0x69: {  	v5 =	vld.idx.msk [tilespmem:v5+s2+$0x0], $0xffff  }
0x6a: {  	v11 =	vld.idx.msk [tilespmem:v11+s2+$0x0], $0xffff  }
0x6b: {  	v6 =	vld.idx.msk [tilespmem:v6+s2+$0x0], $0xffff  }
0x6c: {  	v9 =	vld.idx.msk [tilespmem:v9+s2+$0x0], $0xffff  }
0x6d: {  	v7 =	vld.idx.msk [tilespmem:v7+s2+$0x0], $0xffff  }
0x6e: {  	v12 =	vld.idx.msk [tilespmem:v12+s2+$0x0], $0xffff  }
0x6f: {  	v10 =	vld.idx.msk [tilespmem:v10+s2+$0x0], $0xffff;
	[tilespmem:s24+$0xC830] =	vst v11  }
0x70: {  	[tilespmem:s24+$0xC400] =	vst v0  }
0x71: {  	[tilespmem:s24+$0xC410] =	vst v1  }
0x72: {  	[tilespmem:s24+$0xC420] =	vst v3  }
0x73: {  	[tilespmem:s24+$0xC430] =	vst v4  }
0x74: {  	[tilespmem:s24+$0xC440] =	vst v2  }
0x75: {  	[tilespmem:s24+$0xC450] =	vst v8  }
0x76: {  	[tilespmem:s24+$0xC460] =	vst v5  }
0x77: {  	[tilespmem:s24+$0xC470] =	vst v6  }
0x78: {  	[tilespmem:s24+$0xC800] =	vst v9  }
0x79: {  	[tilespmem:s24+$0xC810] =	vst v7  }
0x7a: {  	[tilespmem:s24+$0xC838] =	vst v12  }
0x7b: {  	s7 =	simm.s32 $0x0;
	s6 =	rddreg [dreg:$0x6];
	[tilespmem:s24+$0xC820] =	vst v10  }
0x7c: {  	[hbm4b:s6+s7] =	stream.linear.scatter [tilespmem:s26], [sflag:$0x4], $0x4000, $0x38;
	[tilespmem:$0x18400] =	vst v63  }
0x7d: {  	s8 =	rddreg [dreg:$0x7]  }
0x7e: {  	[tilespmem:s22], [sflag:$0x1] =	stream.linear.gather [hbm4b:s8+s7], $0x4000, $0x38;
	[tilespmem:$0x18400] =	vst v63  }
0x7f: {  	_ =	swait.ge [sflag:s28], $0x4000  }
0x80: {  	s5 =	sand.u32 $0x380, s7;
	s24 =	sand.u32 $0x3800, s7;
	[sflag:s28] =	ssyncset.done $0x0  }
0x81: {  	s5 =	sor.u32 s5, s24;
	[sflag:s28] =	ssyncadd.s32 $0xFFFFC000  }
0x82: {  	v0 =	vld [tilespmem:s5+$0x4400]  }
0x83: {  	v1 =	vld [tilespmem:s5+$0x4410]  }
0x84: {  	v2 =	vld [tilespmem:s5+$0x4420]  }
0x85: {  	v3 =	vld [tilespmem:s5+$0x4430]  }
0x86: {  	v4 =	vld [tilespmem:s5+$0x4440]  }
0x87: {  	v5 =	vld [tilespmem:s5+$0x4450]  }
0x88: {  	v6 =	vld [tilespmem:s5+$0x4460]  }
0x89: {  	v7 =	vld [tilespmem:s5+$0x4470]  }
0x8a: {  	v8 =	vld [tilespmem:s5+$0x4800]  }
0x8b: {  	v9 =	vld [tilespmem:s5+$0x4810]  }
0x8c: {  	v10 =	vld [tilespmem:s5+$0x4830]  }
0x8d: {  	v11 =	vld [tilespmem:s5+$0x4838]  }
0x8e: {  	v63 =	vld.idx.msk [tilespmem:v4+s2+$0x0], $0xffff  }
0x8f: {  	v4 =	vld [tilespmem:s5+$0x4820]  }
0x90: {  	v13 =	vld.idx.msk [tilespmem:v0+s2+$0x0], $0xffff  }
0x91: {  	v14 =	vld.idx.msk [tilespmem:v1+s2+$0x0], $0xffff  }
0x92: {  	v15 =	vld.idx.msk [tilespmem:v2+s2+$0x0], $0xffff  }
0x93: {  	v16 =	vld.idx.msk [tilespmem:v3+s2+$0x0], $0xffff  }
0x94: {  	v17 =	vld.idx.msk [tilespmem:v5+s2+$0x0], $0xffff  }
0x95: {  	v0 =	vld.idx.msk [tilespmem:v10+s2+$0x0], $0xffff  }
0x96: {  	v1 =	vld.idx.msk [tilespmem:v11+s2+$0x0], $0xffff  }
0x97: {  	v11 =	vld.idx.msk [tilespmem:v6+s2+$0x0], $0xffff  }
0x98: {  	v7 =	vld.idx.msk [tilespmem:v7+s2+$0x0], $0xffff  }
0x99: {  	s6 =	simm.s32 $0x80;
	s7 =	simm.s32 $0x100;
	v18 =	vld.idx.msk [tilespmem:v8+s2+$0x0], $0xffff  }
0x9a: {  	s8 =	sand.u32 $0x380, s6;
	s7 =	sand.u32 $0x3800, s7;
	v19 =	vld.idx.msk [tilespmem:v9+s2+$0x0], $0xffff  }
0x9b: {  	s24 =	sor.u32 s8, s7;
	v2 =	vld.idx.msk [tilespmem:v4+s2+$0x0], $0xffff;
	[tilespmem:s5+$0x10830] =	vst v0  }
0x9c: {  	v0 =	vld [tilespmem:s24+$0x4400];
	[tilespmem:s5+$0x10838] =	vst v1  }
0x9d: {  	v1 =	vld [tilespmem:s24+$0x4410];
	[tilespmem:s5+$0x10400] =	vst v13  }
0x9e: {  	v3 =	vld [tilespmem:s24+$0x4420];
	[tilespmem:s5+$0x10410] =	vst v14  }
0x9f: {  	v4 =	vld [tilespmem:s24+$0x4430];
	[tilespmem:s5+$0x10420] =	vst v15  }
0xa0: {  	v10 =	vld [tilespmem:s24+$0x4440];
	[tilespmem:s5+$0x10430] =	vst v16  }
0xa1: {  	v8 =	vld [tilespmem:s24+$0x4450];
	[tilespmem:s5+$0x10440] =	vst v63  }
0xa2: {  	v5 =	vld [tilespmem:s24+$0x4460];
	[tilespmem:s5+$0x10450] =	vst v17  }
0xa3: {  	v6 =	vld [tilespmem:s24+$0x4470];
	[tilespmem:s5+$0x10460] =	vst v11  }
0xa4: {  	v9 =	vld [tilespmem:s24+$0x4800];
	[tilespmem:s5+$0x10470] =	vst v7  }
0xa5: {  	v7 =	vld [tilespmem:s24+$0x4810];
	[tilespmem:s5+$0x10800] =	vst v18  }
0xa6: {  	s7 =	simm.s32 $0x200;
	v11 =	vld [tilespmem:s24+$0x4830];
	[tilespmem:s5+$0x10810] =	vst v19  }
.LBB2_4:
0xa7: {  	p0 =	sne.s32 s7, $0x3F00;
	v12 =	vld [tilespmem:s24+$0x4838];
	[tilespmem:s5+$0x10820] =	vst v2;
	s5 =	smov.u32 s24  }
0xa8: {  	v13 =	vld.idx.msk [tilespmem:v10+s2+$0x0], $0xffff  }
0xa9: {  	v2 =	vld [tilespmem:s5+$0x4820]  }
0xaa: {  	v10 =	vld.idx.msk [tilespmem:v0+s2+$0x0], $0xffff  }
0xab: {  	v14 =	vld.idx.msk [tilespmem:v1+s2+$0x0], $0xffff  }
0xac: {  	v15 =	vld.idx.msk [tilespmem:v3+s2+$0x0], $0xffff  }
0xad: {  	v16 =	vld.idx.msk [tilespmem:v4+s2+$0x0], $0xffff  }
0xae: {  	v17 =	vld.idx.msk [tilespmem:v8+s2+$0x0], $0xffff  }
0xaf: {  	v0 =	vld.idx.msk [tilespmem:v11+s2+$0x0], $0xffff  }
0xb0: {  	v1 =	vld.idx.msk [tilespmem:v12+s2+$0x0], $0xffff  }
0xb1: {  	v11 =	vld.idx.msk [tilespmem:v5+s2+$0x0], $0xffff  }
0xb2: {  	v12 =	vld.idx.msk [tilespmem:v6+s2+$0x0], $0xffff  }
0xb3: {  	s6 =	sadd.s32 $0x80, s6;
	v18 =	vld.idx.msk [tilespmem:v9+s2+$0x0], $0xffff  }
0xb4: {  	s8 =	sand.u32 $0x3800, s7;
	s24 =	sand.u32 $0x380, s6;
	v19 =	vld.idx.msk [tilespmem:v7+s2+$0x0], $0xffff  }
0xb5: {  	s24 =	sor.u32 s24, s8;
	v2 =	vld.idx.msk [tilespmem:v2+s2+$0x0], $0xffff;
	[tilespmem:s5+$0x10830] =	vst v0  }
0xb6: {  	v0 =	vld [tilespmem:s24+$0x4400];
	[tilespmem:s5+$0x10838] =	vst v1  }
0xb7: {  	v1 =	vld [tilespmem:s24+$0x4410];
	[tilespmem:s5+$0x10400] =	vst v10  }
0xb8: {  	v3 =	vld [tilespmem:s24+$0x4420];
	[tilespmem:s5+$0x10410] =	vst v14  }
0xb9: {  	v4 =	vld [tilespmem:s24+$0x4430];
	[tilespmem:s5+$0x10420] =	vst v15  }
0xba: {  	v10 =	vld [tilespmem:s24+$0x4440];
	[tilespmem:s5+$0x10430] =	vst v16  }
0xbb: {  	v8 =	vld [tilespmem:s24+$0x4450];
	[tilespmem:s5+$0x10440] =	vst v13  }
.Ltmp1:
0xbc: {  	v5 =	vld [tilespmem:s24+$0x4460];
	[tilespmem:s5+$0x10450] =	vst v17;
	(pc) =	sbr.rel @p0 .LBB2_4-.Ltmp1, $4  }
0xbd: {  	v6 =	vld [tilespmem:s24+$0x4470];
	[tilespmem:s5+$0x10460] =	vst v11  }
0xbe: {  	v9 =	vld [tilespmem:s24+$0x4800];
	[tilespmem:s5+$0x10470] =	vst v12  }
0xbf: {  	v7 =	vld [tilespmem:s24+$0x4810];
	[tilespmem:s5+$0x10800] =	vst v18  }
0xc0: {  	s7 =	sadd.s32 $0x100, s7;
	v11 =	vld [tilespmem:s24+$0x4830];
	[tilespmem:s5+$0x10810] =	vst v19  }
0xc1: {  	_ =	sdelay $0x2  }
0xc2: {  	v12 =	vld [tilespmem:s24+$0x4838];
	[tilespmem:s5+$0x10820] =	vst v2  }
0xc3: {  	v2 =	vld.idx.msk [tilespmem:v10+s2+$0x0], $0xffff  }
0xc4: {  	v10 =	vld [tilespmem:s24+$0x4820]  }
0xc5: {  	v0 =	vld.idx.msk [tilespmem:v0+s2+$0x0], $0xffff  }
0xc6: {  	v1 =	vld.idx.msk [tilespmem:v1+s2+$0x0], $0xffff  }
0xc7: {  	v3 =	vld.idx.msk [tilespmem:v3+s2+$0x0], $0xffff  }
0xc8: {  	v4 =	vld.idx.msk [tilespmem:v4+s2+$0x0], $0xffff  }
0xc9: {  	v8 =	vld.idx.msk [tilespmem:v8+s2+$0x0], $0xffff  }
0xca: {  	v5 =	vld.idx.msk [tilespmem:v5+s2+$0x0], $0xffff  }
0xcb: {  	v11 =	vld.idx.msk [tilespmem:v11+s2+$0x0], $0xffff  }
0xcc: {  	v6 =	vld.idx.msk [tilespmem:v6+s2+$0x0], $0xffff  }
0xcd: {  	v9 =	vld.idx.msk [tilespmem:v9+s2+$0x0], $0xffff  }
0xce: {  	v7 =	vld.idx.msk [tilespmem:v7+s2+$0x0], $0xffff  }
0xcf: {  	v12 =	vld.idx.msk [tilespmem:v12+s2+$0x0], $0xffff  }
0xd0: {  	v10 =	vld.idx.msk [tilespmem:v10+s2+$0x0], $0xffff;
	[tilespmem:s24+$0x10830] =	vst v11  }
0xd1: {  	[tilespmem:s24+$0x10400] =	vst v0  }
0xd2: {  	[tilespmem:s24+$0x10410] =	vst v1  }
0xd3: {  	[tilespmem:s24+$0x10420] =	vst v3  }
0xd4: {  	[tilespmem:s24+$0x10430] =	vst v4  }
0xd5: {  	[tilespmem:s24+$0x10440] =	vst v2  }
0xd6: {  	[tilespmem:s24+$0x10450] =	vst v8  }
0xd7: {  	[tilespmem:s24+$0x10460] =	vst v5  }
0xd8: {  	[tilespmem:s24+$0x10470] =	vst v6  }
0xd9: {  	[tilespmem:s24+$0x10800] =	vst v9  }
0xda: {  	[tilespmem:s24+$0x10810] =	vst v7  }
0xdb: {  	[tilespmem:s24+$0x10838] =	vst v12  }
0xdc: {  	[tilespmem:s24+$0x10820] =	vst v10;
	s24 =	simm.s32 $0x0  }
0xdd: {  	[hbm4b:s9+s24] =	stream.linear.scatter [tilespmem:s29], [sflag:$0x5], $0x4000, $0x38;
	[tilespmem:$0x18400] =	vst v63  }
0xde: {  	_ = 	snop  }
0xdf: {  	[tilespmem:s23], [sflag:$0x2] =	stream.linear.gather [hbm4b:s10+s24], $0x4000, $0x38;
	[tilespmem:$0x18400] =	vst v63  }
0xe0: {  	_ =	swait.ge [sflag:s30], $0x4000  }
0xe1: {  	s6 =	sand.u32 $0x3800, s24;
	s5 =	sand.u32 $0x380, s24;
	[sflag:s30] =	ssyncset.done $0x0  }
0xe2: {  	s5 =	sor.u32 s5, s6;
	[sflag:s30] =	ssyncadd.s32 $0xFFFFC000  }
0xe3: {  	v0 =	vld [tilespmem:s5+$0x8400]  }
0xe4: {  	v1 =	vld [tilespmem:s5+$0x8410]  }
0xe5: {  	v2 =	vld [tilespmem:s5+$0x8420]  }
0xe6: {  	v3 =	vld [tilespmem:s5+$0x8430]  }
0xe7: {  	v4 =	vld [tilespmem:s5+$0x8440]  }
0xe8: {  	v5 =	vld [tilespmem:s5+$0x8450]  }
0xe9: {  	v6 =	vld [tilespmem:s5+$0x8460]  }
0xea: {  	v7 =	vld [tilespmem:s5+$0x8470]  }
0xeb: {  	v8 =	vld [tilespmem:s5+$0x8800]  }
0xec: {  	v9 =	vld [tilespmem:s5+$0x8810]  }
0xed: {  	v10 =	vld [tilespmem:s5+$0x8830]  }
0xee: {  	v11 =	vld [tilespmem:s5+$0x8838]  }
0xef: {  	v63 =	vld.idx.msk [tilespmem:v4+s2+$0x0], $0xffff  }
0xf0: {  	v4 =	vld [tilespmem:s5+$0x8820]  }
0xf1: {  	v13 =	vld.idx.msk [tilespmem:v0+s2+$0x0], $0xffff  }
0xf2: {  	v14 =	vld.idx.msk [tilespmem:v1+s2+$0x0], $0xffff  }
0xf3: {  	v15 =	vld.idx.msk [tilespmem:v2+s2+$0x0], $0xffff  }
0xf4: {  	v16 =	vld.idx.msk [tilespmem:v3+s2+$0x0], $0xffff  }
0xf5: {  	v17 =	vld.idx.msk [tilespmem:v5+s2+$0x0], $0xffff  }
0xf6: {  	v0 =	vld.idx.msk [tilespmem:v10+s2+$0x0], $0xffff  }
0xf7: {  	v1 =	vld.idx.msk [tilespmem:v11+s2+$0x0], $0xffff  }
0xf8: {  	v11 =	vld.idx.msk [tilespmem:v6+s2+$0x0], $0xffff  }
0xf9: {  	v7 =	vld.idx.msk [tilespmem:v7+s2+$0x0], $0xffff  }
0xfa: {  	s7 =	simm.s32 $0x100;
	s6 =	simm.s32 $0x80;
	v18 =	vld.idx.msk [tilespmem:v8+s2+$0x0], $0xffff  }
0xfb: {  	s7 =	sand.u32 $0x3800, s7;
	s8 =	sand.u32 $0x380, s6;
	v19 =	vld.idx.msk [tilespmem:v9+s2+$0x0], $0xffff  }
0xfc: {  	s24 =	sor.u32 s8, s7;
	v2 =	vld.idx.msk [tilespmem:v4+s2+$0x0], $0xffff;
	[tilespmem:s5+$0x14830] =	vst v0  }
0xfd: {  	v0 =	vld [tilespmem:s24+$0x8400];
	[tilespmem:s5+$0x14838] =	vst v1  }
0xfe: {  	v1 =	vld [tilespmem:s24+$0x8410];
	[tilespmem:s5+$0x14400] =	vst v13  }
0xff: {  	v3 =	vld [tilespmem:s24+$0x8420];
	[tilespmem:s5+$0x14410] =	vst v14  }
0x100: {  	v4 =	vld [tilespmem:s24+$0x8430];
	[tilespmem:s5+$0x14420] =	vst v15  }
0x101: {  	v10 =	vld [tilespmem:s24+$0x8440];
	[tilespmem:s5+$0x14430] =	vst v16  }
0x102: {  	v8 =	vld [tilespmem:s24+$0x8450];
	[tilespmem:s5+$0x14440] =	vst v63  }
0x103: {  	v5 =	vld [tilespmem:s24+$0x8460];
	[tilespmem:s5+$0x14450] =	vst v17  }
0x104: {  	v6 =	vld [tilespmem:s24+$0x8470];
	[tilespmem:s5+$0x14460] =	vst v11  }
0x105: {  	v9 =	vld [tilespmem:s24+$0x8800];
	[tilespmem:s5+$0x14470] =	vst v7  }
0x106: {  	v7 =	vld [tilespmem:s24+$0x8810];
	[tilespmem:s5+$0x14800] =	vst v18  }
0x107: {  	s7 =	simm.s32 $0x200;
	v11 =	vld [tilespmem:s24+$0x8830];
	[tilespmem:s5+$0x14810] =	vst v19  }
.LBB2_6:
0x108: {  	p0 =	sne.s32 s7, $0x3F00;
	v12 =	vld [tilespmem:s24+$0x8838];
	[tilespmem:s5+$0x14820] =	vst v2;
	s5 =	smov.u32 s24  }
0x109: {  	v13 =	vld.idx.msk [tilespmem:v10+s2+$0x0], $0xffff  }
0x10a: {  	v2 =	vld [tilespmem:s5+$0x8820]  }
0x10b: {  	v10 =	vld.idx.msk [tilespmem:v0+s2+$0x0], $0xffff  }
0x10c: {  	v14 =	vld.idx.msk [tilespmem:v1+s2+$0x0], $0xffff  }
0x10d: {  	v15 =	vld.idx.msk [tilespmem:v3+s2+$0x0], $0xffff  }
0x10e: {  	v16 =	vld.idx.msk [tilespmem:v4+s2+$0x0], $0xffff  }
0x10f: {  	v17 =	vld.idx.msk [tilespmem:v8+s2+$0x0], $0xffff  }
0x110: {  	v0 =	vld.idx.msk [tilespmem:v11+s2+$0x0], $0xffff  }
0x111: {  	v1 =	vld.idx.msk [tilespmem:v12+s2+$0x0], $0xffff  }
0x112: {  	v11 =	vld.idx.msk [tilespmem:v5+s2+$0x0], $0xffff  }
0x113: {  	v12 =	vld.idx.msk [tilespmem:v6+s2+$0x0], $0xffff  }
0x114: {  	s6 =	sadd.s32 $0x80, s6;
	v18 =	vld.idx.msk [tilespmem:v9+s2+$0x0], $0xffff  }
0x115: {  	s8 =	sand.u32 $0x3800, s7;
	s24 =	sand.u32 $0x380, s6;
	v19 =	vld.idx.msk [tilespmem:v7+s2+$0x0], $0xffff  }
0x116: {  	s24 =	sor.u32 s24, s8;
	v2 =	vld.idx.msk [tilespmem:v2+s2+$0x0], $0xffff;
	[tilespmem:s5+$0x14830] =	vst v0  }
0x117: {  	v0 =	vld [tilespmem:s24+$0x8400];
	[tilespmem:s5+$0x14838] =	vst v1  }
0x118: {  	v1 =	vld [tilespmem:s24+$0x8410];
	[tilespmem:s5+$0x14400] =	vst v10  }
0x119: {  	v3 =	vld [tilespmem:s24+$0x8420];
	[tilespmem:s5+$0x14410] =	vst v14  }
0x11a: {  	v4 =	vld [tilespmem:s24+$0x8430];
	[tilespmem:s5+$0x14420] =	vst v15  }
0x11b: {  	v10 =	vld [tilespmem:s24+$0x8440];
	[tilespmem:s5+$0x14430] =	vst v16  }
0x11c: {  	v8 =	vld [tilespmem:s24+$0x8450];
	[tilespmem:s5+$0x14440] =	vst v13  }
.Ltmp2:
0x11d: {  	v5 =	vld [tilespmem:s24+$0x8460];
	[tilespmem:s5+$0x14450] =	vst v17;
	(pc) =	sbr.rel @p0 .LBB2_6-.Ltmp2, $4  }
0x11e: {  	v6 =	vld [tilespmem:s24+$0x8470];
	[tilespmem:s5+$0x14460] =	vst v11  }
0x11f: {  	v9 =	vld [tilespmem:s24+$0x8800];
	[tilespmem:s5+$0x14470] =	vst v12  }
0x120: {  	v7 =	vld [tilespmem:s24+$0x8810];
	[tilespmem:s5+$0x14800] =	vst v18  }
0x121: {  	s7 =	sadd.s32 $0x100, s7;
	v11 =	vld [tilespmem:s24+$0x8830];
	[tilespmem:s5+$0x14810] =	vst v19  }
0x122: {  	_ =	sdelay $0x2  }
0x123: {  	v12 =	vld [tilespmem:s24+$0x8838];
	[tilespmem:s5+$0x14820] =	vst v2  }
0x124: {  	v2 =	vld.idx.msk [tilespmem:v10+s2+$0x0], $0xffff  }
0x125: {  	v10 =	vld [tilespmem:s24+$0x8820]  }
0x126: {  	v0 =	vld.idx.msk [tilespmem:v0+s2+$0x0], $0xffff  }
0x127: {  	v1 =	vld.idx.msk [tilespmem:v1+s2+$0x0], $0xffff  }
0x128: {  	v3 =	vld.idx.msk [tilespmem:v3+s2+$0x0], $0xffff  }
0x129: {  	v4 =	vld.idx.msk [tilespmem:v4+s2+$0x0], $0xffff  }
0x12a: {  	v8 =	vld.idx.msk [tilespmem:v8+s2+$0x0], $0xffff  }
0x12b: {  	v5 =	vld.idx.msk [tilespmem:v5+s2+$0x0], $0xffff  }
0x12c: {  	v11 =	vld.idx.msk [tilespmem:v11+s2+$0x0], $0xffff  }
0x12d: {  	v6 =	vld.idx.msk [tilespmem:v6+s2+$0x0], $0xffff  }
0x12e: {  	v9 =	vld.idx.msk [tilespmem:v9+s2+$0x0], $0xffff  }
0x12f: {  	v7 =	vld.idx.msk [tilespmem:v7+s2+$0x0], $0xffff  }
0x130: {  	v12 =	vld.idx.msk [tilespmem:v12+s2+$0x0], $0xffff  }
0x131: {  	v10 =	vld.idx.msk [tilespmem:v10+s2+$0x0], $0xffff;
	[tilespmem:s24+$0x14830] =	vst v11  }
0x132: {  	[tilespmem:s24+$0x14400] =	vst v0  }
0x133: {  	[tilespmem:s24+$0x14410] =	vst v1  }
0x134: {  	[tilespmem:s24+$0x14420] =	vst v3  }
0x135: {  	[tilespmem:s24+$0x14430] =	vst v4  }
0x136: {  	[tilespmem:s24+$0x14440] =	vst v2  }
0x137: {  	[tilespmem:s24+$0x14450] =	vst v8  }
0x138: {  	[tilespmem:s24+$0x14460] =	vst v5  }
0x139: {  	[tilespmem:s24+$0x14470] =	vst v6  }
0x13a: {  	[tilespmem:s24+$0x14800] =	vst v9  }
0x13b: {  	[tilespmem:s24+$0x14810] =	vst v7  }
0x13c: {  	[tilespmem:s24+$0x14838] =	vst v12  }
0x13d: {  	s8 =	simm.s32 $0x0;
	[tilespmem:s24+$0x14820] =	vst v10  }
0x13e: {  	[hbm4b:s11+s8] =	stream.linear.scatter [tilespmem:s31], [sflag:$0x6], $0x4000, $0x38;
	[tilespmem:$0x18400] =	vst v63  }
0x13f: {  	s6 =	simm.s32 $0x8400  }
0x140: {  	[tilespmem:s6], [sflag:$0x3] =	stream.linear.gather [hbm4b:s12+s8], $0x4000, $0x38;
	[tilespmem:$0x18400] =	vst v63  }
0x141: {  	_ =	swait.ge [sflag:s25], $0x4000  }
0x142: {  	[sflag:s25] =	ssyncset.done $0x0  }
0x143: {  	[sflag:s25] =	ssyncadd.s32 $0xFFFFC000  }
0x144: {  	_ =	swait.ge [sflag:s0], $0x4000  }
0x145: {  	s5 =	sand.u32 $0x380, s8;
	s24 =	sand.u32 $0x3800, s8;
	[sflag:s0] =	ssyncset.done $0x0  }
0x146: {  	s5 =	sor.u32 s5, s24;
	[sflag:s0] =	ssyncadd.s32 $0xFFFFC000  }
0x147: {  	v0 =	vld [tilespmem:s5+$0x400]  }
0x148: {  	v1 =	vld [tilespmem:s5+$0x410]  }
0x149: {  	v2 =	vld [tilespmem:s5+$0x420]  }
0x14a: {  	v3 =	vld [tilespmem:s5+$0x430]  }
0x14b: {  	v4 =	vld [tilespmem:s5+$0x440]  }
0x14c: {  	v5 =	vld [tilespmem:s5+$0x450]  }
0x14d: {  	v6 =	vld [tilespmem:s5+$0x460]  }
0x14e: {  	v7 =	vld [tilespmem:s5+$0x470]  }
0x14f: {  	v8 =	vld [tilespmem:s5+$0x800]  }
0x150: {  	v9 =	vld [tilespmem:s5+$0x810]  }
0x151: {  	v10 =	vld [tilespmem:s5+$0x830]  }
0x152: {  	v11 =	vld [tilespmem:s5+$0x838]  }
0x153: {  	v63 =	vld.idx.msk [tilespmem:v4+s2+$0x0], $0xffff  }
0x154: {  	v4 =	vld [tilespmem:s5+$0x820]  }
0x155: {  	v13 =	vld.idx.msk [tilespmem:v0+s2+$0x0], $0xffff  }
0x156: {  	v14 =	vld.idx.msk [tilespmem:v1+s2+$0x0], $0xffff  }
0x157: {  	v15 =	vld.idx.msk [tilespmem:v2+s2+$0x0], $0xffff  }
0x158: {  	v16 =	vld.idx.msk [tilespmem:v3+s2+$0x0], $0xffff  }
0x159: {  	v17 =	vld.idx.msk [tilespmem:v5+s2+$0x0], $0xffff  }
0x15a: {  	v0 =	vld.idx.msk [tilespmem:v10+s2+$0x0], $0xffff  }
0x15b: {  	v1 =	vld.idx.msk [tilespmem:v11+s2+$0x0], $0xffff  }
0x15c: {  	v11 =	vld.idx.msk [tilespmem:v6+s2+$0x0], $0xffff  }
0x15d: {  	v7 =	vld.idx.msk [tilespmem:v7+s2+$0x0], $0xffff  }
0x15e: {  	s7 =	simm.s32 $0x100;
	s6 =	simm.s32 $0x80;
	v18 =	vld.idx.msk [tilespmem:v8+s2+$0x0], $0xffff  }
0x15f: {  	s7 =	sand.u32 $0x3800, s7;
	s8 =	sand.u32 $0x380, s6;
	v19 =	vld.idx.msk [tilespmem:v9+s2+$0x0], $0xffff  }
0x160: {  	s24 =	sor.u32 s8, s7;
	v2 =	vld.idx.msk [tilespmem:v4+s2+$0x0], $0xffff;
	[tilespmem:s5+$0xC830] =	vst v0  }
0x161: {  	v0 =	vld [tilespmem:s24+$0x400];
	[tilespmem:s5+$0xC838] =	vst v1  }
0x162: {  	v1 =	vld [tilespmem:s24+$0x410];
	[tilespmem:s5+$0xC400] =	vst v13  }
0x163: {  	v3 =	vld [tilespmem:s24+$0x420];
	[tilespmem:s5+$0xC410] =	vst v14  }
0x164: {  	v4 =	vld [tilespmem:s24+$0x430];
	[tilespmem:s5+$0xC420] =	vst v15  }
0x165: {  	v10 =	vld [tilespmem:s24+$0x440];
	[tilespmem:s5+$0xC430] =	vst v16  }
0x166: {  	v8 =	vld [tilespmem:s24+$0x450];
	[tilespmem:s5+$0xC440] =	vst v63  }
0x167: {  	v5 =	vld [tilespmem:s24+$0x460];
	[tilespmem:s5+$0xC450] =	vst v17  }
0x168: {  	v6 =	vld [tilespmem:s24+$0x470];
	[tilespmem:s5+$0xC460] =	vst v11  }
0x169: {  	v9 =	vld [tilespmem:s24+$0x800];
	[tilespmem:s5+$0xC470] =	vst v7  }
0x16a: {  	v7 =	vld [tilespmem:s24+$0x810];
	[tilespmem:s5+$0xC800] =	vst v18  }
0x16b: {  	s7 =	simm.s32 $0x200;
	v11 =	vld [tilespmem:s24+$0x830];
	[tilespmem:s5+$0xC810] =	vst v19  }
.LBB2_8:
0x16c: {  	p0 =	sne.s32 s7, $0x3F00;
	v12 =	vld [tilespmem:s24+$0x838];
	[tilespmem:s5+$0xC820] =	vst v2;
	s5 =	smov.u32 s24  }
0x16d: {  	v13 =	vld.idx.msk [tilespmem:v10+s2+$0x0], $0xffff  }
0x16e: {  	v2 =	vld [tilespmem:s5+$0x820]  }
0x16f: {  	v10 =	vld.idx.msk [tilespmem:v0+s2+$0x0], $0xffff  }
0x170: {  	v14 =	vld.idx.msk [tilespmem:v1+s2+$0x0], $0xffff  }
0x171: {  	v15 =	vld.idx.msk [tilespmem:v3+s2+$0x0], $0xffff  }
0x172: {  	v16 =	vld.idx.msk [tilespmem:v4+s2+$0x0], $0xffff  }
0x173: {  	v17 =	vld.idx.msk [tilespmem:v8+s2+$0x0], $0xffff  }
0x174: {  	v0 =	vld.idx.msk [tilespmem:v11+s2+$0x0], $0xffff  }
0x175: {  	v1 =	vld.idx.msk [tilespmem:v12+s2+$0x0], $0xffff  }
0x176: {  	v11 =	vld.idx.msk [tilespmem:v5+s2+$0x0], $0xffff  }
0x177: {  	v12 =	vld.idx.msk [tilespmem:v6+s2+$0x0], $0xffff  }
0x178: {  	s6 =	sadd.s32 $0x80, s6;
	v18 =	vld.idx.msk [tilespmem:v9+s2+$0x0], $0xffff  }
0x179: {  	s8 =	sand.u32 $0x3800, s7;
	s24 =	sand.u32 $0x380, s6;
	v19 =	vld.idx.msk [tilespmem:v7+s2+$0x0], $0xffff  }
0x17a: {  	s24 =	sor.u32 s24, s8;
	v2 =	vld.idx.msk [tilespmem:v2+s2+$0x0], $0xffff;
	[tilespmem:s5+$0xC830] =	vst v0  }
0x17b: {  	v0 =	vld [tilespmem:s24+$0x400];
	[tilespmem:s5+$0xC838] =	vst v1  }
0x17c: {  	v1 =	vld [tilespmem:s24+$0x410];
	[tilespmem:s5+$0xC400] =	vst v10  }
0x17d: {  	v3 =	vld [tilespmem:s24+$0x420];
	[tilespmem:s5+$0xC410] =	vst v14  }
0x17e: {  	v4 =	vld [tilespmem:s24+$0x430];
	[tilespmem:s5+$0xC420] =	vst v15  }
0x17f: {  	v10 =	vld [tilespmem:s24+$0x440];
	[tilespmem:s5+$0xC430] =	vst v16  }
0x180: {  	v8 =	vld [tilespmem:s24+$0x450];
	[tilespmem:s5+$0xC440] =	vst v13  }
.Ltmp3:
0x181: {  	v5 =	vld [tilespmem:s24+$0x460];
	[tilespmem:s5+$0xC450] =	vst v17;
	(pc) =	sbr.rel @p0 .LBB2_8-.Ltmp3, $4  }
0x182: {  	v6 =	vld [tilespmem:s24+$0x470];
	[tilespmem:s5+$0xC460] =	vst v11  }
0x183: {  	v9 =	vld [tilespmem:s24+$0x800];
	[tilespmem:s5+$0xC470] =	vst v12  }
0x184: {  	v7 =	vld [tilespmem:s24+$0x810];
	[tilespmem:s5+$0xC800] =	vst v18  }
0x185: {  	s7 =	sadd.s32 $0x100, s7;
	v11 =	vld [tilespmem:s24+$0x830];
	[tilespmem:s5+$0xC810] =	vst v19  }
0x186: {  	_ =	sdelay $0x2  }
0x187: {  	v12 =	vld [tilespmem:s24+$0x838];
	[tilespmem:s5+$0xC820] =	vst v2  }
0x188: {  	v2 =	vld.idx.msk [tilespmem:v10+s2+$0x0], $0xffff  }
0x189: {  	v10 =	vld [tilespmem:s24+$0x820]  }
0x18a: {  	v0 =	vld.idx.msk [tilespmem:v0+s2+$0x0], $0xffff  }
0x18b: {  	v1 =	vld.idx.msk [tilespmem:v1+s2+$0x0], $0xffff  }
0x18c: {  	v3 =	vld.idx.msk [tilespmem:v3+s2+$0x0], $0xffff  }
0x18d: {  	v4 =	vld.idx.msk [tilespmem:v4+s2+$0x0], $0xffff  }
0x18e: {  	v8 =	vld.idx.msk [tilespmem:v8+s2+$0x0], $0xffff  }
0x18f: {  	v5 =	vld.idx.msk [tilespmem:v5+s2+$0x0], $0xffff  }
0x190: {  	v11 =	vld.idx.msk [tilespmem:v11+s2+$0x0], $0xffff  }
0x191: {  	v6 =	vld.idx.msk [tilespmem:v6+s2+$0x0], $0xffff  }
0x192: {  	v9 =	vld.idx.msk [tilespmem:v9+s2+$0x0], $0xffff  }
0x193: {  	v7 =	vld.idx.msk [tilespmem:v7+s2+$0x0], $0xffff  }
0x194: {  	v12 =	vld.idx.msk [tilespmem:v12+s2+$0x0], $0xffff  }
0x195: {  	v10 =	vld.idx.msk [tilespmem:v10+s2+$0x0], $0xffff;
	[tilespmem:s24+$0xC830] =	vst v11  }
0x196: {  	[tilespmem:s24+$0xC400] =	vst v0  }
0x197: {  	[tilespmem:s24+$0xC410] =	vst v1  }
0x198: {  	[tilespmem:s24+$0xC420] =	vst v3  }
0x199: {  	[tilespmem:s24+$0xC430] =	vst v4  }
0x19a: {  	[tilespmem:s24+$0xC440] =	vst v2  }
0x19b: {  	[tilespmem:s24+$0xC450] =	vst v8  }
0x19c: {  	[tilespmem:s24+$0xC460] =	vst v5  }
0x19d: {  	[tilespmem:s24+$0xC470] =	vst v6  }
0x19e: {  	[tilespmem:s24+$0xC800] =	vst v9  }
0x19f: {  	[tilespmem:s24+$0xC810] =	vst v7  }
0x1a0: {  	[tilespmem:s24+$0xC838] =	vst v12  }
0x1a1: {  	[tilespmem:s24+$0xC820] =	vst v10;
	s24 =	simm.s32 $0x0  }
0x1a2: {  	[hbm4b:s13+s24] =	stream.linear.scatter [tilespmem:s26], [sflag:$0x4], $0x4000, $0x38;
	[tilespmem:$0x18400] =	vst v63  }
0x1a3: {  	_ = 	snop  }
0x1a4: {  	[tilespmem:s22], [sflag:$0x1] =	stream.linear.gather [hbm4b:s14+s24], $0x4000, $0x38;
	[tilespmem:$0x18400] =	vst v63  }
0x1a5: {  	_ =	swait.ge [sflag:s28], $0x4000  }
0x1a6: {  	[sflag:s28] =	ssyncset.done $0x0  }
0x1a7: {  	[sflag:s28] =	ssyncadd.s32 $0xFFFFC000  }
0x1a8: {  	_ =	swait.ge [sflag:s3], $0x4000  }
0x1a9: {  	s6 =	sand.u32 $0x3800, s24;
	s5 =	sand.u32 $0x380, s24;
	[sflag:s3] =	ssyncset.done $0x0  }
0x1aa: {  	s5 =	sor.u32 s5, s6;
	[sflag:s3] =	ssyncadd.s32 $0xFFFFC000  }
0x1ab: {  	v0 =	vld [tilespmem:s5+$0x4400]  }
0x1ac: {  	v1 =	vld [tilespmem:s5+$0x4410]  }
0x1ad: {  	v2 =	vld [tilespmem:s5+$0x4420]  }
0x1ae: {  	v3 =	vld [tilespmem:s5+$0x4430]  }
0x1af: {  	v4 =	vld [tilespmem:s5+$0x4440]  }
0x1b0: {  	v5 =	vld [tilespmem:s5+$0x4450]  }
0x1b1: {  	v6 =	vld [tilespmem:s5+$0x4460]  }
0x1b2: {  	v7 =	vld [tilespmem:s5+$0x4470]  }
0x1b3: {  	v8 =	vld [tilespmem:s5+$0x4800]  }
0x1b4: {  	v9 =	vld [tilespmem:s5+$0x4810]  }
0x1b5: {  	v10 =	vld [tilespmem:s5+$0x4830]  }
0x1b6: {  	v11 =	vld [tilespmem:s5+$0x4838]  }
0x1b7: {  	v63 =	vld.idx.msk [tilespmem:v4+s2+$0x0], $0xffff  }
0x1b8: {  	v4 =	vld [tilespmem:s5+$0x4820]  }
0x1b9: {  	v13 =	vld.idx.msk [tilespmem:v0+s2+$0x0], $0xffff  }
0x1ba: {  	v14 =	vld.idx.msk [tilespmem:v1+s2+$0x0], $0xffff  }
0x1bb: {  	v15 =	vld.idx.msk [tilespmem:v2+s2+$0x0], $0xffff  }
0x1bc: {  	v16 =	vld.idx.msk [tilespmem:v3+s2+$0x0], $0xffff  }
0x1bd: {  	v17 =	vld.idx.msk [tilespmem:v5+s2+$0x0], $0xffff  }
0x1be: {  	v0 =	vld.idx.msk [tilespmem:v10+s2+$0x0], $0xffff  }
0x1bf: {  	v1 =	vld.idx.msk [tilespmem:v11+s2+$0x0], $0xffff  }
0x1c0: {  	v11 =	vld.idx.msk [tilespmem:v6+s2+$0x0], $0xffff  }
0x1c1: {  	v7 =	vld.idx.msk [tilespmem:v7+s2+$0x0], $0xffff  }
0x1c2: {  	s7 =	simm.s32 $0x100;
	s6 =	simm.s32 $0x80;
	v18 =	vld.idx.msk [tilespmem:v8+s2+$0x0], $0xffff  }
0x1c3: {  	s7 =	sand.u32 $0x3800, s7;
	s8 =	sand.u32 $0x380, s6;
	v19 =	vld.idx.msk [tilespmem:v9+s2+$0x0], $0xffff  }
0x1c4: {  	s24 =	sor.u32 s8, s7;
	v2 =	vld.idx.msk [tilespmem:v4+s2+$0x0], $0xffff;
	[tilespmem:s5+$0x10830] =	vst v0  }
0x1c5: {  	v0 =	vld [tilespmem:s24+$0x4400];
	[tilespmem:s5+$0x10838] =	vst v1  }
0x1c6: {  	v1 =	vld [tilespmem:s24+$0x4410];
	[tilespmem:s5+$0x10400] =	vst v13  }
0x1c7: {  	v3 =	vld [tilespmem:s24+$0x4420];
	[tilespmem:s5+$0x10410] =	vst v14  }
0x1c8: {  	v4 =	vld [tilespmem:s24+$0x4430];
	[tilespmem:s5+$0x10420] =	vst v15  }
0x1c9: {  	v10 =	vld [tilespmem:s24+$0x4440];
	[tilespmem:s5+$0x10430] =	vst v16  }
0x1ca: {  	v8 =	vld [tilespmem:s24+$0x4450];
	[tilespmem:s5+$0x10440] =	vst v63  }
0x1cb: {  	v5 =	vld [tilespmem:s24+$0x4460];
	[tilespmem:s5+$0x10450] =	vst v17  }
0x1cc: {  	v6 =	vld [tilespmem:s24+$0x4470];
	[tilespmem:s5+$0x10460] =	vst v11  }
0x1cd: {  	v9 =	vld [tilespmem:s24+$0x4800];
	[tilespmem:s5+$0x10470] =	vst v7  }
0x1ce: {  	v7 =	vld [tilespmem:s24+$0x4810];
	[tilespmem:s5+$0x10800] =	vst v18  }
0x1cf: {  	s7 =	simm.s32 $0x200;
	v11 =	vld [tilespmem:s24+$0x4830];
	[tilespmem:s5+$0x10810] =	vst v19  }
.LBB2_10:
0x1d0: {  	p0 =	sne.s32 s7, $0x3F00;
	v12 =	vld [tilespmem:s24+$0x4838];
	[tilespmem:s5+$0x10820] =	vst v2;
	s5 =	smov.u32 s24  }
0x1d1: {  	v13 =	vld.idx.msk [tilespmem:v10+s2+$0x0], $0xffff  }
0x1d2: {  	v2 =	vld [tilespmem:s5+$0x4820]  }
0x1d3: {  	v10 =	vld.idx.msk [tilespmem:v0+s2+$0x0], $0xffff  }
0x1d4: {  	v14 =	vld.idx.msk [tilespmem:v1+s2+$0x0], $0xffff  }
0x1d5: {  	v15 =	vld.idx.msk [tilespmem:v3+s2+$0x0], $0xffff  }
0x1d6: {  	v16 =	vld.idx.msk [tilespmem:v4+s2+$0x0], $0xffff  }
0x1d7: {  	v17 =	vld.idx.msk [tilespmem:v8+s2+$0x0], $0xffff  }
0x1d8: {  	v0 =	vld.idx.msk [tilespmem:v11+s2+$0x0], $0xffff  }
0x1d9: {  	v1 =	vld.idx.msk [tilespmem:v12+s2+$0x0], $0xffff  }
0x1da: {  	v11 =	vld.idx.msk [tilespmem:v5+s2+$0x0], $0xffff  }
0x1db: {  	v12 =	vld.idx.msk [tilespmem:v6+s2+$0x0], $0xffff  }
0x1dc: {  	s6 =	sadd.s32 $0x80, s6;
	v18 =	vld.idx.msk [tilespmem:v9+s2+$0x0], $0xffff  }
0x1dd: {  	s8 =	sand.u32 $0x3800, s7;
	s24 =	sand.u32 $0x380, s6;
	v19 =	vld.idx.msk [tilespmem:v7+s2+$0x0], $0xffff  }
0x1de: {  	s24 =	sor.u32 s24, s8;
	v2 =	vld.idx.msk [tilespmem:v2+s2+$0x0], $0xffff;
	[tilespmem:s5+$0x10830] =	vst v0  }
0x1df: {  	v0 =	vld [tilespmem:s24+$0x4400];
	[tilespmem:s5+$0x10838] =	vst v1  }
0x1e0: {  	v1 =	vld [tilespmem:s24+$0x4410];
	[tilespmem:s5+$0x10400] =	vst v10  }
0x1e1: {  	v3 =	vld [tilespmem:s24+$0x4420];
	[tilespmem:s5+$0x10410] =	vst v14  }
0x1e2: {  	v4 =	vld [tilespmem:s24+$0x4430];
	[tilespmem:s5+$0x10420] =	vst v15  }
0x1e3: {  	v10 =	vld [tilespmem:s24+$0x4440];
	[tilespmem:s5+$0x10430] =	vst v16  }
0x1e4: {  	v8 =	vld [tilespmem:s24+$0x4450];
	[tilespmem:s5+$0x10440] =	vst v13  }
.Ltmp4:
0x1e5: {  	v5 =	vld [tilespmem:s24+$0x4460];
	[tilespmem:s5+$0x10450] =	vst v17;
	(pc) =	sbr.rel @p0 .LBB2_10-.Ltmp4, $4  }
0x1e6: {  	v6 =	vld [tilespmem:s24+$0x4470];
	[tilespmem:s5+$0x10460] =	vst v11  }
0x1e7: {  	v9 =	vld [tilespmem:s24+$0x4800];
	[tilespmem:s5+$0x10470] =	vst v12  }
0x1e8: {  	v7 =	vld [tilespmem:s24+$0x4810];
	[tilespmem:s5+$0x10800] =	vst v18  }
0x1e9: {  	s7 =	sadd.s32 $0x100, s7;
	v11 =	vld [tilespmem:s24+$0x4830];
	[tilespmem:s5+$0x10810] =	vst v19  }
0x1ea: {  	_ =	sdelay $0x2  }
0x1eb: {  	v12 =	vld [tilespmem:s24+$0x4838];
	[tilespmem:s5+$0x10820] =	vst v2  }
0x1ec: {  	v2 =	vld.idx.msk [tilespmem:v10+s2+$0x0], $0xffff  }
0x1ed: {  	v10 =	vld [tilespmem:s24+$0x4820]  }
0x1ee: {  	v0 =	vld.idx.msk [tilespmem:v0+s2+$0x0], $0xffff  }
0x1ef: {  	v1 =	vld.idx.msk [tilespmem:v1+s2+$0x0], $0xffff  }
0x1f0: {  	v3 =	vld.idx.msk [tilespmem:v3+s2+$0x0], $0xffff  }
0x1f1: {  	v4 =	vld.idx.msk [tilespmem:v4+s2+$0x0], $0xffff  }
0x1f2: {  	v8 =	vld.idx.msk [tilespmem:v8+s2+$0x0], $0xffff  }
0x1f3: {  	v5 =	vld.idx.msk [tilespmem:v5+s2+$0x0], $0xffff  }
0x1f4: {  	v11 =	vld.idx.msk [tilespmem:v11+s2+$0x0], $0xffff  }
0x1f5: {  	v6 =	vld.idx.msk [tilespmem:v6+s2+$0x0], $0xffff  }
0x1f6: {  	v9 =	vld.idx.msk [tilespmem:v9+s2+$0x0], $0xffff  }
0x1f7: {  	v7 =	vld.idx.msk [tilespmem:v7+s2+$0x0], $0xffff  }
0x1f8: {  	v12 =	vld.idx.msk [tilespmem:v12+s2+$0x0], $0xffff  }
0x1f9: {  	v10 =	vld.idx.msk [tilespmem:v10+s2+$0x0], $0xffff;
	[tilespmem:s24+$0x10830] =	vst v11  }
0x1fa: {  	[tilespmem:s24+$0x10400] =	vst v0  }
0x1fb: {  	[tilespmem:s24+$0x10410] =	vst v1  }
0x1fc: {  	[tilespmem:s24+$0x10420] =	vst v3  }
0x1fd: {  	[tilespmem:s24+$0x10430] =	vst v4  }
0x1fe: {  	[tilespmem:s24+$0x10440] =	vst v2  }
0x1ff: {  	[tilespmem:s24+$0x10450] =	vst v8  }
0x200: {  	[tilespmem:s24+$0x10460] =	vst v5  }
0x201: {  	[tilespmem:s24+$0x10470] =	vst v6  }
0x202: {  	[tilespmem:s24+$0x10800] =	vst v9  }
0x203: {  	[tilespmem:s24+$0x10810] =	vst v7  }
0x204: {  	[tilespmem:s24+$0x10838] =	vst v12  }
0x205: {  	[tilespmem:s24+$0x10820] =	vst v10;
	s24 =	simm.s32 $0x0  }
0x206: {  	[hbm4b:s15+s24] =	stream.linear.scatter [tilespmem:s29], [sflag:$0x5], $0x4000, $0x38;
	[tilespmem:$0x18400] =	vst v63  }
0x207: {  	_ = 	snop  }
0x208: {  	[tilespmem:s23], [sflag:$0x2] =	stream.linear.gather [hbm4b:s16+s24], $0x4000, $0x38;
	[tilespmem:$0x18400] =	vst v63  }
0x209: {  	_ =	swait.ge [sflag:s30], $0x4000  }
0x20a: {  	[sflag:s30] =	ssyncset.done $0x0  }
0x20b: {  	[sflag:s30] =	ssyncadd.s32 $0xFFFFC000  }
0x20c: {  	_ =	swait.ge [sflag:s1], $0x4000  }
0x20d: {  	s6 =	sand.u32 $0x3800, s24;
	s5 =	sand.u32 $0x380, s24;
	[sflag:s1] =	ssyncset.done $0x0  }
0x20e: {  	s5 =	sor.u32 s5, s6;
	[sflag:s1] =	ssyncadd.s32 $0xFFFFC000  }
0x20f: {  	v0 =	vld [tilespmem:s5+$0x8400]  }
0x210: {  	v1 =	vld [tilespmem:s5+$0x8410]  }
0x211: {  	v2 =	vld [tilespmem:s5+$0x8420]  }
0x212: {  	v3 =	vld [tilespmem:s5+$0x8430]  }
0x213: {  	v4 =	vld [tilespmem:s5+$0x8440]  }
0x214: {  	v5 =	vld [tilespmem:s5+$0x8450]  }
0x215: {  	v6 =	vld [tilespmem:s5+$0x8460]  }
0x216: {  	v7 =	vld [tilespmem:s5+$0x8470]  }
0x217: {  	v8 =	vld [tilespmem:s5+$0x8800]  }
0x218: {  	v9 =	vld [tilespmem:s5+$0x8810]  }
0x219: {  	v10 =	vld [tilespmem:s5+$0x8830]  }
0x21a: {  	v11 =	vld [tilespmem:s5+$0x8838]  }
0x21b: {  	v63 =	vld.idx.msk [tilespmem:v4+s2+$0x0], $0xffff  }
0x21c: {  	v4 =	vld [tilespmem:s5+$0x8820]  }
0x21d: {  	v13 =	vld.idx.msk [tilespmem:v0+s2+$0x0], $0xffff  }
0x21e: {  	v14 =	vld.idx.msk [tilespmem:v1+s2+$0x0], $0xffff  }
0x21f: {  	v15 =	vld.idx.msk [tilespmem:v2+s2+$0x0], $0xffff  }
0x220: {  	v16 =	vld.idx.msk [tilespmem:v3+s2+$0x0], $0xffff  }
0x221: {  	v17 =	vld.idx.msk [tilespmem:v5+s2+$0x0], $0xffff  }
0x222: {  	v0 =	vld.idx.msk [tilespmem:v10+s2+$0x0], $0xffff  }
0x223: {  	v1 =	vld.idx.msk [tilespmem:v11+s2+$0x0], $0xffff  }
0x224: {  	v11 =	vld.idx.msk [tilespmem:v6+s2+$0x0], $0xffff  }
0x225: {  	v7 =	vld.idx.msk [tilespmem:v7+s2+$0x0], $0xffff  }
0x226: {  	s7 =	simm.s32 $0x100;
	s6 =	simm.s32 $0x80;
	v18 =	vld.idx.msk [tilespmem:v8+s2+$0x0], $0xffff  }
0x227: {  	s7 =	sand.u32 $0x3800, s7;
	s8 =	sand.u32 $0x380, s6;
	v19 =	vld.idx.msk [tilespmem:v9+s2+$0x0], $0xffff  }
0x228: {  	s24 =	sor.u32 s8, s7;
	v2 =	vld.idx.msk [tilespmem:v4+s2+$0x0], $0xffff;
	[tilespmem:s5+$0x14830] =	vst v0  }
0x229: {  	v0 =	vld [tilespmem:s24+$0x8400];
	[tilespmem:s5+$0x14838] =	vst v1  }
0x22a: {  	v1 =	vld [tilespmem:s24+$0x8410];
	[tilespmem:s5+$0x14400] =	vst v13  }
0x22b: {  	v3 =	vld [tilespmem:s24+$0x8420];
	[tilespmem:s5+$0x14410] =	vst v14  }
0x22c: {  	v4 =	vld [tilespmem:s24+$0x8430];
	[tilespmem:s5+$0x14420] =	vst v15  }
0x22d: {  	v10 =	vld [tilespmem:s24+$0x8440];
	[tilespmem:s5+$0x14430] =	vst v16  }
0x22e: {  	v8 =	vld [tilespmem:s24+$0x8450];
	[tilespmem:s5+$0x14440] =	vst v63  }
0x22f: {  	v5 =	vld [tilespmem:s24+$0x8460];
	[tilespmem:s5+$0x14450] =	vst v17  }
0x230: {  	v6 =	vld [tilespmem:s24+$0x8470];
	[tilespmem:s5+$0x14460] =	vst v11  }
0x231: {  	v9 =	vld [tilespmem:s24+$0x8800];
	[tilespmem:s5+$0x14470] =	vst v7  }
0x232: {  	v7 =	vld [tilespmem:s24+$0x8810];
	[tilespmem:s5+$0x14800] =	vst v18  }
0x233: {  	s7 =	simm.s32 $0x200;
	v11 =	vld [tilespmem:s24+$0x8830];
	[tilespmem:s5+$0x14810] =	vst v19  }
.LBB2_12:
0x234: {  	p0 =	sne.s32 s7, $0x3F00;
	v12 =	vld [tilespmem:s24+$0x8838];
	[tilespmem:s5+$0x14820] =	vst v2;
	s5 =	smov.u32 s24  }
0x235: {  	v13 =	vld.idx.msk [tilespmem:v10+s2+$0x0], $0xffff  }
0x236: {  	v2 =	vld [tilespmem:s5+$0x8820]  }
0x237: {  	v10 =	vld.idx.msk [tilespmem:v0+s2+$0x0], $0xffff  }
0x238: {  	v14 =	vld.idx.msk [tilespmem:v1+s2+$0x0], $0xffff  }
0x239: {  	v15 =	vld.idx.msk [tilespmem:v3+s2+$0x0], $0xffff  }
0x23a: {  	v16 =	vld.idx.msk [tilespmem:v4+s2+$0x0], $0xffff  }
0x23b: {  	v17 =	vld.idx.msk [tilespmem:v8+s2+$0x0], $0xffff  }
0x23c: {  	v0 =	vld.idx.msk [tilespmem:v11+s2+$0x0], $0xffff  }
0x23d: {  	v1 =	vld.idx.msk [tilespmem:v12+s2+$0x0], $0xffff  }
0x23e: {  	v11 =	vld.idx.msk [tilespmem:v5+s2+$0x0], $0xffff  }
0x23f: {  	v12 =	vld.idx.msk [tilespmem:v6+s2+$0x0], $0xffff  }
0x240: {  	s6 =	sadd.s32 $0x80, s6;
	v18 =	vld.idx.msk [tilespmem:v9+s2+$0x0], $0xffff  }
0x241: {  	s8 =	sand.u32 $0x3800, s7;
	s24 =	sand.u32 $0x380, s6;
	v19 =	vld.idx.msk [tilespmem:v7+s2+$0x0], $0xffff  }
0x242: {  	s24 =	sor.u32 s24, s8;
	v2 =	vld.idx.msk [tilespmem:v2+s2+$0x0], $0xffff;
	[tilespmem:s5+$0x14830] =	vst v0  }
0x243: {  	v0 =	vld [tilespmem:s24+$0x8400];
	[tilespmem:s5+$0x14838] =	vst v1  }
0x244: {  	v1 =	vld [tilespmem:s24+$0x8410];
	[tilespmem:s5+$0x14400] =	vst v10  }
0x245: {  	v3 =	vld [tilespmem:s24+$0x8420];
	[tilespmem:s5+$0x14410] =	vst v14  }
0x246: {  	v4 =	vld [tilespmem:s24+$0x8430];
	[tilespmem:s5+$0x14420] =	vst v15  }
0x247: {  	v10 =	vld [tilespmem:s24+$0x8440];
	[tilespmem:s5+$0x14430] =	vst v16  }
0x248: {  	v8 =	vld [tilespmem:s24+$0x8450];
	[tilespmem:s5+$0x14440] =	vst v13  }
.Ltmp5:
0x249: {  	v5 =	vld [tilespmem:s24+$0x8460];
	[tilespmem:s5+$0x14450] =	vst v17;
	(pc) =	sbr.rel @p0 .LBB2_12-.Ltmp5, $4  }
0x24a: {  	v6 =	vld [tilespmem:s24+$0x8470];
	[tilespmem:s5+$0x14460] =	vst v11  }
0x24b: {  	v9 =	vld [tilespmem:s24+$0x8800];
	[tilespmem:s5+$0x14470] =	vst v12  }
0x24c: {  	v7 =	vld [tilespmem:s24+$0x8810];
	[tilespmem:s5+$0x14800] =	vst v18  }
0x24d: {  	s7 =	sadd.s32 $0x100, s7;
	v11 =	vld [tilespmem:s24+$0x8830];
	[tilespmem:s5+$0x14810] =	vst v19  }
0x24e: {  	_ =	sdelay $0x2  }
0x24f: {  	v12 =	vld [tilespmem:s24+$0x8838];
	[tilespmem:s5+$0x14820] =	vst v2  }
0x250: {  	v2 =	vld.idx.msk [tilespmem:v10+s2+$0x0], $0xffff  }
0x251: {  	v10 =	vld [tilespmem:s24+$0x8820]  }
0x252: {  	v0 =	vld.idx.msk [tilespmem:v0+s2+$0x0], $0xffff  }
0x253: {  	v1 =	vld.idx.msk [tilespmem:v1+s2+$0x0], $0xffff  }
0x254: {  	v3 =	vld.idx.msk [tilespmem:v3+s2+$0x0], $0xffff  }
0x255: {  	v4 =	vld.idx.msk [tilespmem:v4+s2+$0x0], $0xffff  }
0x256: {  	v8 =	vld.idx.msk [tilespmem:v8+s2+$0x0], $0xffff  }
0x257: {  	v5 =	vld.idx.msk [tilespmem:v5+s2+$0x0], $0xffff  }
0x258: {  	v11 =	vld.idx.msk [tilespmem:v11+s2+$0x0], $0xffff  }
0x259: {  	v6 =	vld.idx.msk [tilespmem:v6+s2+$0x0], $0xffff  }
0x25a: {  	v9 =	vld.idx.msk [tilespmem:v9+s2+$0x0], $0xffff  }
0x25b: {  	v7 =	vld.idx.msk [tilespmem:v7+s2+$0x0], $0xffff  }
0x25c: {  	v12 =	vld.idx.msk [tilespmem:v12+s2+$0x0], $0xffff  }
0x25d: {  	v10 =	vld.idx.msk [tilespmem:v10+s2+$0x0], $0xffff;
	[tilespmem:s24+$0x14830] =	vst v11  }
0x25e: {  	[tilespmem:s24+$0x14400] =	vst v0  }
0x25f: {  	[tilespmem:s24+$0x14410] =	vst v1  }
0x260: {  	[tilespmem:s24+$0x14420] =	vst v3  }
0x261: {  	[tilespmem:s24+$0x14430] =	vst v4  }
0x262: {  	[tilespmem:s24+$0x14440] =	vst v2  }
0x263: {  	[tilespmem:s24+$0x14450] =	vst v8  }
0x264: {  	[tilespmem:s24+$0x14460] =	vst v5  }
0x265: {  	[tilespmem:s24+$0x14470] =	vst v6  }
0x266: {  	[tilespmem:s24+$0x14800] =	vst v9  }
0x267: {  	[tilespmem:s24+$0x14810] =	vst v7  }
0x268: {  	[tilespmem:s24+$0x14838] =	vst v12  }
0x269: {  	[tilespmem:s24+$0x14820] =	vst v10;
	s24 =	simm.s32 $0x0  }
0x26a: {  	[hbm4b:s17+s24] =	stream.linear.scatter [tilespmem:s31], [sflag:$0x6], $0x4000, $0x38;
	[tilespmem:$0x18400] =	vst v63  }
0x26b: {  	_ =	swait.ge [sflag:s25], $0x4000  }
0x26c: {  	[sflag:s25] =	ssyncset.done $0x0  }
0x26d: {  	[sflag:s25] =	ssyncadd.s32 $0xFFFFC000  }
0x26e: {  	_ =	swait.ge [sflag:s0], $0x4000  }
0x26f: {  	s6 =	sand.u32 $0x3800, s24;
	s5 =	sand.u32 $0x380, s24;
	[sflag:s0] =	ssyncset.done $0x0  }
0x270: {  	s5 =	sor.u32 s5, s6;
	[sflag:s0] =	ssyncadd.s32 $0xFFFFC000  }
0x271: {  	v0 =	vld [tilespmem:s5+$0x400]  }
0x272: {  	v1 =	vld [tilespmem:s5+$0x410]  }
0x273: {  	v2 =	vld [tilespmem:s5+$0x420]  }
0x274: {  	v3 =	vld [tilespmem:s5+$0x430]  }
0x275: {  	v4 =	vld [tilespmem:s5+$0x440]  }
0x276: {  	v5 =	vld [tilespmem:s5+$0x450]  }
0x277: {  	v6 =	vld [tilespmem:s5+$0x460]  }
0x278: {  	v7 =	vld [tilespmem:s5+$0x470]  }
0x279: {  	v8 =	vld [tilespmem:s5+$0x800]  }
0x27a: {  	v9 =	vld [tilespmem:s5+$0x810]  }
0x27b: {  	v10 =	vld [tilespmem:s5+$0x830]  }
0x27c: {  	v11 =	vld [tilespmem:s5+$0x838]  }
0x27d: {  	v63 =	vld.idx.msk [tilespmem:v4+s2+$0x0], $0xffff  }
0x27e: {  	v4 =	vld [tilespmem:s5+$0x820]  }
0x27f: {  	v13 =	vld.idx.msk [tilespmem:v0+s2+$0x0], $0xffff  }
0x280: {  	v14 =	vld.idx.msk [tilespmem:v1+s2+$0x0], $0xffff  }
0x281: {  	v15 =	vld.idx.msk [tilespmem:v2+s2+$0x0], $0xffff  }
0x282: {  	v16 =	vld.idx.msk [tilespmem:v3+s2+$0x0], $0xffff  }
0x283: {  	v17 =	vld.idx.msk [tilespmem:v5+s2+$0x0], $0xffff  }
0x284: {  	v0 =	vld.idx.msk [tilespmem:v10+s2+$0x0], $0xffff  }
0x285: {  	v1 =	vld.idx.msk [tilespmem:v11+s2+$0x0], $0xffff  }
0x286: {  	v11 =	vld.idx.msk [tilespmem:v6+s2+$0x0], $0xffff  }
0x287: {  	v7 =	vld.idx.msk [tilespmem:v7+s2+$0x0], $0xffff  }
0x288: {  	s7 =	simm.s32 $0x100;
	s6 =	simm.s32 $0x80;
	v18 =	vld.idx.msk [tilespmem:v8+s2+$0x0], $0xffff  }
0x289: {  	s7 =	sand.u32 $0x3800, s7;
	s8 =	sand.u32 $0x380, s6;
	v19 =	vld.idx.msk [tilespmem:v9+s2+$0x0], $0xffff  }
0x28a: {  	s24 =	sor.u32 s8, s7;
	v2 =	vld.idx.msk [tilespmem:v4+s2+$0x0], $0xffff;
	[tilespmem:s5+$0xC830] =	vst v0  }
0x28b: {  	v0 =	vld [tilespmem:s24+$0x400];
	[tilespmem:s5+$0xC838] =	vst v1  }
0x28c: {  	v1 =	vld [tilespmem:s24+$0x410];
	[tilespmem:s5+$0xC400] =	vst v13  }
0x28d: {  	v3 =	vld [tilespmem:s24+$0x420];
	[tilespmem:s5+$0xC410] =	vst v14  }
0x28e: {  	v4 =	vld [tilespmem:s24+$0x430];
	[tilespmem:s5+$0xC420] =	vst v15  }
0x28f: {  	v10 =	vld [tilespmem:s24+$0x440];
	[tilespmem:s5+$0xC430] =	vst v16  }
0x290: {  	v8 =	vld [tilespmem:s24+$0x450];
	[tilespmem:s5+$0xC440] =	vst v63  }
0x291: {  	v5 =	vld [tilespmem:s24+$0x460];
	[tilespmem:s5+$0xC450] =	vst v17  }
0x292: {  	v6 =	vld [tilespmem:s24+$0x470];
	[tilespmem:s5+$0xC460] =	vst v11  }
0x293: {  	v9 =	vld [tilespmem:s24+$0x800];
	[tilespmem:s5+$0xC470] =	vst v7  }
0x294: {  	v7 =	vld [tilespmem:s24+$0x810];
	[tilespmem:s5+$0xC800] =	vst v18  }
0x295: {  	s7 =	simm.s32 $0x200;
	v11 =	vld [tilespmem:s24+$0x830];
	[tilespmem:s5+$0xC810] =	vst v19  }
.LBB2_14:
0x296: {  	p0 =	sne.s32 s7, $0x3F00;
	v12 =	vld [tilespmem:s24+$0x838];
	[tilespmem:s5+$0xC820] =	vst v2;
	s5 =	smov.u32 s24  }
0x297: {  	v13 =	vld.idx.msk [tilespmem:v10+s2+$0x0], $0xffff  }
0x298: {  	v2 =	vld [tilespmem:s5+$0x820]  }
0x299: {  	v10 =	vld.idx.msk [tilespmem:v0+s2+$0x0], $0xffff  }
0x29a: {  	v14 =	vld.idx.msk [tilespmem:v1+s2+$0x0], $0xffff  }
0x29b: {  	v15 =	vld.idx.msk [tilespmem:v3+s2+$0x0], $0xffff  }
0x29c: {  	v16 =	vld.idx.msk [tilespmem:v4+s2+$0x0], $0xffff  }
0x29d: {  	v17 =	vld.idx.msk [tilespmem:v8+s2+$0x0], $0xffff  }
0x29e: {  	v0 =	vld.idx.msk [tilespmem:v11+s2+$0x0], $0xffff  }
0x29f: {  	v1 =	vld.idx.msk [tilespmem:v12+s2+$0x0], $0xffff  }
0x2a0: {  	v11 =	vld.idx.msk [tilespmem:v5+s2+$0x0], $0xffff  }
0x2a1: {  	v12 =	vld.idx.msk [tilespmem:v6+s2+$0x0], $0xffff  }
0x2a2: {  	s6 =	sadd.s32 $0x80, s6;
	v18 =	vld.idx.msk [tilespmem:v9+s2+$0x0], $0xffff  }
0x2a3: {  	s8 =	sand.u32 $0x3800, s7;
	s24 =	sand.u32 $0x380, s6;
	v19 =	vld.idx.msk [tilespmem:v7+s2+$0x0], $0xffff  }
0x2a4: {  	s24 =	sor.u32 s24, s8;
	v2 =	vld.idx.msk [tilespmem:v2+s2+$0x0], $0xffff;
	[tilespmem:s5+$0xC830] =	vst v0  }
0x2a5: {  	v0 =	vld [tilespmem:s24+$0x400];
	[tilespmem:s5+$0xC838] =	vst v1  }
0x2a6: {  	v1 =	vld [tilespmem:s24+$0x410];
	[tilespmem:s5+$0xC400] =	vst v10  }
0x2a7: {  	v3 =	vld [tilespmem:s24+$0x420];
	[tilespmem:s5+$0xC410] =	vst v14  }
0x2a8: {  	v4 =	vld [tilespmem:s24+$0x430];
	[tilespmem:s5+$0xC420] =	vst v15  }
0x2a9: {  	v10 =	vld [tilespmem:s24+$0x440];
	[tilespmem:s5+$0xC430] =	vst v16  }
0x2aa: {  	v8 =	vld [tilespmem:s24+$0x450];
	[tilespmem:s5+$0xC440] =	vst v13  }
.Ltmp6:
0x2ab: {  	v5 =	vld [tilespmem:s24+$0x460];
	[tilespmem:s5+$0xC450] =	vst v17;
	(pc) =	sbr.rel @p0 .LBB2_14-.Ltmp6, $4  }
0x2ac: {  	v6 =	vld [tilespmem:s24+$0x470];
	[tilespmem:s5+$0xC460] =	vst v11  }
0x2ad: {  	v9 =	vld [tilespmem:s24+$0x800];
	[tilespmem:s5+$0xC470] =	vst v12  }
0x2ae: {  	v7 =	vld [tilespmem:s24+$0x810];
	[tilespmem:s5+$0xC800] =	vst v18  }
0x2af: {  	s7 =	sadd.s32 $0x100, s7;
	v11 =	vld [tilespmem:s24+$0x830];
	[tilespmem:s5+$0xC810] =	vst v19  }
0x2b0: {  	_ =	sdelay $0x2  }
0x2b1: {  	v12 =	vld [tilespmem:s24+$0x838];
	[tilespmem:s5+$0xC820] =	vst v2  }
0x2b2: {  	v2 =	vld.idx.msk [tilespmem:v10+s2+$0x0], $0xffff  }
0x2b3: {  	v10 =	vld [tilespmem:s24+$0x820]  }
0x2b4: {  	v0 =	vld.idx.msk [tilespmem:v0+s2+$0x0], $0xffff  }
0x2b5: {  	v1 =	vld.idx.msk [tilespmem:v1+s2+$0x0], $0xffff  }
0x2b6: {  	v3 =	vld.idx.msk [tilespmem:v3+s2+$0x0], $0xffff  }
0x2b7: {  	v4 =	vld.idx.msk [tilespmem:v4+s2+$0x0], $0xffff  }
0x2b8: {  	v8 =	vld.idx.msk [tilespmem:v8+s2+$0x0], $0xffff  }
0x2b9: {  	v5 =	vld.idx.msk [tilespmem:v5+s2+$0x0], $0xffff  }
0x2ba: {  	v11 =	vld.idx.msk [tilespmem:v11+s2+$0x0], $0xffff  }
0x2bb: {  	v6 =	vld.idx.msk [tilespmem:v6+s2+$0x0], $0xffff  }
0x2bc: {  	v9 =	vld.idx.msk [tilespmem:v9+s2+$0x0], $0xffff  }
0x2bd: {  	v7 =	vld.idx.msk [tilespmem:v7+s2+$0x0], $0xffff  }
0x2be: {  	v12 =	vld.idx.msk [tilespmem:v12+s2+$0x0], $0xffff  }
0x2bf: {  	v10 =	vld.idx.msk [tilespmem:v10+s2+$0x0], $0xffff;
	[tilespmem:s24+$0xC830] =	vst v11  }
0x2c0: {  	[tilespmem:s24+$0xC400] =	vst v0  }
0x2c1: {  	[tilespmem:s24+$0xC410] =	vst v1  }
0x2c2: {  	[tilespmem:s24+$0xC420] =	vst v3  }
0x2c3: {  	[tilespmem:s24+$0xC430] =	vst v4  }
0x2c4: {  	[tilespmem:s24+$0xC440] =	vst v2  }
0x2c5: {  	[tilespmem:s24+$0xC450] =	vst v8  }
0x2c6: {  	[tilespmem:s24+$0xC460] =	vst v5  }
0x2c7: {  	[tilespmem:s24+$0xC470] =	vst v6  }
0x2c8: {  	[tilespmem:s24+$0xC800] =	vst v9  }
0x2c9: {  	[tilespmem:s24+$0xC810] =	vst v7  }
0x2ca: {  	[tilespmem:s24+$0xC838] =	vst v12  }
0x2cb: {  	[tilespmem:s24+$0xC820] =	vst v10;
	s24 =	simm.s32 $0x0  }
0x2cc: {  	[hbm4b:s18+s24] =	stream.linear.scatter [tilespmem:s26], [sflag:$0x4], $0x4000, $0x38;
	[tilespmem:$0x18400] =	vst v63  }
0x2cd: {  	_ =	swait.ge [sflag:s28], $0x4000  }
0x2ce: {  	[sflag:s28] =	ssyncset.done $0x0  }
0x2cf: {  	[sflag:s28] =	ssyncadd.s32 $0xFFFFC000  }
0x2d0: {  	_ =	swait.ge [sflag:s3], $0x4000  }
0x2d1: {  	s6 =	sand.u32 $0x3800, s24;
	s5 =	sand.u32 $0x380, s24;
	[sflag:s3] =	ssyncset.done $0x0  }
0x2d2: {  	s5 =	sor.u32 s5, s6;
	[sflag:s3] =	ssyncadd.s32 $0xFFFFC000  }
0x2d3: {  	v0 =	vld [tilespmem:s5+$0x4400]  }
0x2d4: {  	v1 =	vld [tilespmem:s5+$0x4410]  }
0x2d5: {  	v2 =	vld [tilespmem:s5+$0x4420]  }
0x2d6: {  	v3 =	vld [tilespmem:s5+$0x4430]  }
0x2d7: {  	v4 =	vld [tilespmem:s5+$0x4440]  }
0x2d8: {  	v5 =	vld [tilespmem:s5+$0x4450]  }
0x2d9: {  	v6 =	vld [tilespmem:s5+$0x4460]  }
0x2da: {  	v7 =	vld [tilespmem:s5+$0x4470]  }
0x2db: {  	v8 =	vld [tilespmem:s5+$0x4800]  }
0x2dc: {  	v9 =	vld [tilespmem:s5+$0x4810]  }
0x2dd: {  	v10 =	vld [tilespmem:s5+$0x4830]  }
0x2de: {  	v11 =	vld [tilespmem:s5+$0x4838]  }
0x2df: {  	v63 =	vld.idx.msk [tilespmem:v4+s2+$0x0], $0xffff  }
0x2e0: {  	v4 =	vld [tilespmem:s5+$0x4820]  }
0x2e1: {  	v13 =	vld.idx.msk [tilespmem:v0+s2+$0x0], $0xffff  }
0x2e2: {  	v14 =	vld.idx.msk [tilespmem:v1+s2+$0x0], $0xffff  }
0x2e3: {  	v15 =	vld.idx.msk [tilespmem:v2+s2+$0x0], $0xffff  }
0x2e4: {  	v16 =	vld.idx.msk [tilespmem:v3+s2+$0x0], $0xffff  }
0x2e5: {  	v17 =	vld.idx.msk [tilespmem:v5+s2+$0x0], $0xffff  }
0x2e6: {  	v0 =	vld.idx.msk [tilespmem:v10+s2+$0x0], $0xffff  }
0x2e7: {  	v1 =	vld.idx.msk [tilespmem:v11+s2+$0x0], $0xffff  }
0x2e8: {  	v11 =	vld.idx.msk [tilespmem:v6+s2+$0x0], $0xffff  }
0x2e9: {  	v7 =	vld.idx.msk [tilespmem:v7+s2+$0x0], $0xffff  }
0x2ea: {  	s7 =	simm.s32 $0x100;
	s6 =	simm.s32 $0x80;
	v18 =	vld.idx.msk [tilespmem:v8+s2+$0x0], $0xffff  }
0x2eb: {  	s7 =	sand.u32 $0x3800, s7;
	s8 =	sand.u32 $0x380, s6;
	v19 =	vld.idx.msk [tilespmem:v9+s2+$0x0], $0xffff  }
0x2ec: {  	s24 =	sor.u32 s8, s7;
	v2 =	vld.idx.msk [tilespmem:v4+s2+$0x0], $0xffff;
	[tilespmem:s5+$0x10830] =	vst v0  }
0x2ed: {  	v0 =	vld [tilespmem:s24+$0x4400];
	[tilespmem:s5+$0x10838] =	vst v1  }
0x2ee: {  	v1 =	vld [tilespmem:s24+$0x4410];
	[tilespmem:s5+$0x10400] =	vst v13  }
0x2ef: {  	v3 =	vld [tilespmem:s24+$0x4420];
	[tilespmem:s5+$0x10410] =	vst v14  }
0x2f0: {  	v4 =	vld [tilespmem:s24+$0x4430];
	[tilespmem:s5+$0x10420] =	vst v15  }
0x2f1: {  	v10 =	vld [tilespmem:s24+$0x4440];
	[tilespmem:s5+$0x10430] =	vst v16  }
0x2f2: {  	v8 =	vld [tilespmem:s24+$0x4450];
	[tilespmem:s5+$0x10440] =	vst v63  }
0x2f3: {  	v5 =	vld [tilespmem:s24+$0x4460];
	[tilespmem:s5+$0x10450] =	vst v17  }
0x2f4: {  	v6 =	vld [tilespmem:s24+$0x4470];
	[tilespmem:s5+$0x10460] =	vst v11  }
0x2f5: {  	v9 =	vld [tilespmem:s24+$0x4800];
	[tilespmem:s5+$0x10470] =	vst v7  }
0x2f6: {  	v7 =	vld [tilespmem:s24+$0x4810];
	[tilespmem:s5+$0x10800] =	vst v18  }
0x2f7: {  	s7 =	simm.s32 $0x200;
	v11 =	vld [tilespmem:s24+$0x4830];
	[tilespmem:s5+$0x10810] =	vst v19  }
.LBB2_16:
0x2f8: {  	p0 =	sne.s32 s7, $0x3F00;
	v12 =	vld [tilespmem:s24+$0x4838];
	[tilespmem:s5+$0x10820] =	vst v2;
	s5 =	smov.u32 s24  }
0x2f9: {  	v13 =	vld.idx.msk [tilespmem:v10+s2+$0x0], $0xffff  }
0x2fa: {  	v2 =	vld [tilespmem:s5+$0x4820]  }
0x2fb: {  	v10 =	vld.idx.msk [tilespmem:v0+s2+$0x0], $0xffff  }
0x2fc: {  	v14 =	vld.idx.msk [tilespmem:v1+s2+$0x0], $0xffff  }
0x2fd: {  	v15 =	vld.idx.msk [tilespmem:v3+s2+$0x0], $0xffff  }
0x2fe: {  	v16 =	vld.idx.msk [tilespmem:v4+s2+$0x0], $0xffff  }
0x2ff: {  	v17 =	vld.idx.msk [tilespmem:v8+s2+$0x0], $0xffff  }
0x300: {  	v0 =	vld.idx.msk [tilespmem:v11+s2+$0x0], $0xffff  }
0x301: {  	v1 =	vld.idx.msk [tilespmem:v12+s2+$0x0], $0xffff  }
0x302: {  	v11 =	vld.idx.msk [tilespmem:v5+s2+$0x0], $0xffff  }
0x303: {  	v12 =	vld.idx.msk [tilespmem:v6+s2+$0x0], $0xffff  }
0x304: {  	s6 =	sadd.s32 $0x80, s6;
	v18 =	vld.idx.msk [tilespmem:v9+s2+$0x0], $0xffff  }
0x305: {  	s8 =	sand.u32 $0x3800, s7;
	s24 =	sand.u32 $0x380, s6;
	v19 =	vld.idx.msk [tilespmem:v7+s2+$0x0], $0xffff  }
0x306: {  	s24 =	sor.u32 s24, s8;
	v2 =	vld.idx.msk [tilespmem:v2+s2+$0x0], $0xffff;
	[tilespmem:s5+$0x10830] =	vst v0  }
0x307: {  	v0 =	vld [tilespmem:s24+$0x4400];
	[tilespmem:s5+$0x10838] =	vst v1  }
0x308: {  	v1 =	vld [tilespmem:s24+$0x4410];
	[tilespmem:s5+$0x10400] =	vst v10  }
0x309: {  	v3 =	vld [tilespmem:s24+$0x4420];
	[tilespmem:s5+$0x10410] =	vst v14  }
0x30a: {  	v4 =	vld [tilespmem:s24+$0x4430];
	[tilespmem:s5+$0x10420] =	vst v15  }
0x30b: {  	v10 =	vld [tilespmem:s24+$0x4440];
	[tilespmem:s5+$0x10430] =	vst v16  }
0x30c: {  	v8 =	vld [tilespmem:s24+$0x4450];
	[tilespmem:s5+$0x10440] =	vst v13  }
.Ltmp7:
0x30d: {  	v5 =	vld [tilespmem:s24+$0x4460];
	[tilespmem:s5+$0x10450] =	vst v17;
	(pc) =	sbr.rel @p0 .LBB2_16-.Ltmp7, $4  }
0x30e: {  	v6 =	vld [tilespmem:s24+$0x4470];
	[tilespmem:s5+$0x10460] =	vst v11  }
0x30f: {  	v9 =	vld [tilespmem:s24+$0x4800];
	[tilespmem:s5+$0x10470] =	vst v12  }
0x310: {  	v7 =	vld [tilespmem:s24+$0x4810];
	[tilespmem:s5+$0x10800] =	vst v18  }
0x311: {  	s7 =	sadd.s32 $0x100, s7;
	v11 =	vld [tilespmem:s24+$0x4830];
	[tilespmem:s5+$0x10810] =	vst v19  }
0x312: {  	_ =	sdelay $0x2  }
0x313: {  	v12 =	vld [tilespmem:s24+$0x4838];
	[tilespmem:s5+$0x10820] =	vst v2  }
0x314: {  	v2 =	vld.idx.msk [tilespmem:v10+s2+$0x0], $0xffff  }
0x315: {  	v63 =	vld [tilespmem:s24+$0x4820]  }
0x316: {  	v0 =	vld.idx.msk [tilespmem:v0+s2+$0x0], $0xffff  }
0x317: {  	v1 =	vld.idx.msk [tilespmem:v1+s2+$0x0], $0xffff  }
0x318: {  	v3 =	vld.idx.msk [tilespmem:v3+s2+$0x0], $0xffff  }
0x319: {  	v4 =	vld.idx.msk [tilespmem:v4+s2+$0x0], $0xffff  }
0x31a: {  	v8 =	vld.idx.msk [tilespmem:v8+s2+$0x0], $0xffff  }
0x31b: {  	v5 =	vld.idx.msk [tilespmem:v5+s2+$0x0], $0xffff  }
0x31c: {  	v11 =	vld.idx.msk [tilespmem:v11+s2+$0x0], $0xffff  }
0x31d: {  	v6 =	vld.idx.msk [tilespmem:v6+s2+$0x0], $0xffff  }
0x31e: {  	v9 =	vld.idx.msk [tilespmem:v9+s2+$0x0], $0xffff  }
0x31f: {  	v7 =	vld.idx.msk [tilespmem:v7+s2+$0x0], $0xffff  }
0x320: {  	v12 =	vld.idx.msk [tilespmem:v12+s2+$0x0], $0xffff  }
0x321: {  	v10 =	vld.idx.msk [tilespmem:v63+s2+$0x0], $0xffff;
	[tilespmem:s24+$0x10830] =	vst v11  }
0x322: {  	[tilespmem:s24+$0x10400] =	vst v0  }
0x323: {  	[tilespmem:s24+$0x10410] =	vst v1  }
0x324: {  	[tilespmem:s24+$0x10420] =	vst v3  }
0x325: {  	[tilespmem:s24+$0x10430] =	vst v4  }
0x326: {  	[tilespmem:s24+$0x10440] =	vst v2  }
0x327: {  	[tilespmem:s24+$0x10450] =	vst v8  }
0x328: {  	[tilespmem:s24+$0x10460] =	vst v5  }
0x329: {  	[tilespmem:s24+$0x10470] =	vst v6  }
0x32a: {  	[tilespmem:s24+$0x10800] =	vst v9  }
0x32b: {  	[tilespmem:s24+$0x10810] =	vst v7  }
0x32c: {  	[tilespmem:s24+$0x10838] =	vst v12  }
0x32d: {  	[tilespmem:s24+$0x10820] =	vst v10  }
0x32e: {  	[hbm4b:s19+s2] =	stream.linear.scatter [tilespmem:s29], [sflag:$0x5], $0x4000, $0x38;
	[tilespmem:$0x18400] =	vst v63  }
0x32f: {  	_ =	swait.ge [sflag:s1], $0x4000  }
0x330: {  	[sflag:s1] =	ssyncset.done $0x0  }
0x331: {  	s4 =	sadd.s32 $0x1, s4;
	[sflag:s1] =	ssyncadd.s32 $0xFFFFC000  }
0x332: {  	p0 =	sne.s32 s4, s20;
	_ =	swait.ge [sflag:s0], $0x4000  }
.Ltmp8:
0x333: {  	[sflag:s0] =	ssyncset.done $0x0;
	(pc) =	sbr.rel @p0 .LBB2_1-.Ltmp8, $4  }
0x334: {  	[sflag:s0] =	ssyncadd.s32 $0xFFFFC000  }
0x335: {  	_ =	swait.ge [sflag:s3], $0x4000  }
0x336: {  	[sflag:s3] =	ssyncset.done $0x0  }
0x337: {  	[sflag:s3] =	ssyncadd.s32 $0xFFFFC000  }
0x338: {  	_ =	sfence.sel $0x180000  }
0x339: {  	[bflag:$0x0] =	sbarrier.arrive $0xFFFF  }
0x33a: {  	_ =	strace $0x90000047  }
0x33b: {  	s0 =	stileid.u32;
	[bflag:$0x2] =	sbarrier.arrive $0xFFFF  }
0x33c: {  	p0 =	sne.s32 s0, $0x0;
	s0 =	rddreg [dreg:$0x2]  }
0x33d: {  	s0 =	sadd.s32 @!p0 $0x100000, s0  }
0x33e: {  	[sflag:s0] =	ssyncadd.tile.s32 @!p0 $0x1;
	_ =	shalt  }
.Lfunc_end2:
_tile_overlayer_lowered:
.L_overlay_start_2:
0x33f: {  	(tag) =	ssettag $0x2  }
0x340: {  	s0 =	rddreg [dreg:$0x0];
	s2 =	stileid.u32  }
0x341: {  	s1 =	rddreg [dreg:$0x1];
	p0 =	sne.s32 s2, $0x0  }
0x342: {  	s3 =	rddreg [dreg:$0x2];
	[bflag:$0x3] =	sbarrier.arrive $0xFFFF;
	s2 =	simm.s32 @!p0 $0x1C07  }
0x343: {  	[timem:s3], [sflag:s2] =	dma.local @!p0 [hbm:s0], s1  }
0x344: {  	s0 =	simm.s32 @!p0 $0x7  }
0x345: {  	_ =	swait.ge @!p0 [sflag:s0], s1  }
0x346: {  	s1 =	ssub.s32 @!p0 $0x0, s1;
	[sflag:s0] =	ssyncset.done @!p0 $0x0  }
0x347: {  	[sflag:s0] =	ssyncadd.s32 @!p0 s1  }
0x348: {  	[bflag:$0x3] =	sbarrier.arrive $0xFFFF  }
0x349: {  	_ =	shalt  }

</sc_bundles>
